<compile_context>
chip_gen: v7x
topology: tpu7x:2x2x1
jax: 0.10.2.dev20260603
libtpu: 0.0.44.dev20260713+nightly
codegen_flags: <defaults>
</compile_context>

<pallas_src>
import jax
import jax.numpy as jnp
from jax import lax
from jax.experimental import pallas as pl
from jax.experimental.pallas import tpu as pltpu
from jax.experimental.pallas import tpu_sc as plsc

_N = 10000
_NP = 10240
_E = 160000
_D1 = 256
_D2 = 128

_NC = 2
_NS = 16
_NW = _NC * _NS
_CH = 128
_EP = 163840
_NCH = _EP // _CH
_CPT = _NCH // _NW
_RPT = _NP // _NS

_NB = 2
_SPT = _CPT // _NB

_RB3 = 10
_RB = _RB3 * 128
_GRID = _NP // _RB

_mesh = plsc.VectorSubcoreMesh(core_axis_name="c", subcore_axis_name="s")


def _deg_body(src_hbm, dst_hbm, hout_hbm, hin_hbm, idxs_v, idxd_v, ho_v, hi_v):
    c = lax.axis_index("c")
    s = lax.axis_index("s")
    wid = c * _NS + s
    z16 = jnp.zeros((16,), jnp.float32)

    def zero(i, _):
        for j in range(128 // 16):
            ho_v[i, pl.ds(j * 16, 16)] = z16
            hi_v[i, pl.ds(j * 16, 16)] = z16
        return 0

    lax.fori_loop(0, _NP // 128, zero, 0)

    pltpu.sync_copy(src_hbm.at[pl.ds(wid * _CPT, _CPT)], idxs_v)
    pltpu.sync_copy(dst_hbm.at[pl.ds(wid * _CPT, _CPT)], idxd_v)

    ones16 = jnp.ones((16,), jnp.float32)

    def body(t, _):
        for j in range(_CH // 16):
            iv = idxs_v[t, pl.ds(j * 16, 16)]
            plsc.addupdate_scatter(ho_v, [iv >> 7, iv & 127], ones16)
            iv = idxd_v[t, pl.ds(j * 16, 16)]
            plsc.addupdate_scatter(hi_v, [iv >> 7, iv & 127], ones16)
        return 0

    lax.fori_loop(0, _CPT, body, 0)
    pltpu.sync_copy(ho_v, hout_hbm.at[:, wid])
    pltpu.sync_copy(hi_v, hin_hbm.at[:, wid])


_deg = pl.kernel(
    _deg_body,
    out_type=(
        jax.ShapeDtypeStruct((_NP // 128, _NW, 128), jnp.float32),
        jax.ShapeDtypeStruct((_NP // 128, _NW, 128), jnp.float32),
    ),
    mesh=_mesh,
    compiler_params=pltpu.CompilerParams(needs_layout_passes=False),
    scratch_types=[
        pltpu.VMEM((_CPT, _CH), jnp.int32),
        pltpu.VMEM((_CPT, _CH), jnp.int32),
        pltpu.VMEM((_NP // 128, 128), jnp.float32),
        pltpu.VMEM((_NP // 128, 128), jnp.float32),
    ],
)


def _agg_body(x_hbm, src_hbm, dst_hbm, out_hbm,
              idxs_v, idxd_v, bufs, acc_sh, gsems, ssems):
    c = lax.axis_index("c")
    s = lax.axis_index("s")
    wid = c * _NS + s
    cb = wid * _CPT
    z16 = jnp.zeros((16,), jnp.float32)
    buf0 = bufs[0]
    buf1 = bufs[1]

    pltpu.sync_copy(src_hbm.at[pl.ds(cb, _CPT)], idxs_v)
    pltpu.sync_copy(dst_hbm.at[pl.ds(cb, _CPT)], idxd_v)
    pltpu.async_copy(x_hbm.at[idxs_v.at[0]], buf0, gsems[0])

    def zero(i, _):
        for j in range(_D2 // 16):
            buf1[i, pl.ds(j * 16, 16)] = z16
        return 0

    lax.fori_loop(0, _CH, zero, 0)

    base = s * _RPT
    for k in range(_RPT // _CH):
        pltpu.sync_copy(buf1, acc_sh.at[pl.ds(base + k * _CH, _CH)])
    plsc.subcore_barrier()


    def body(t, _):
        j0 = 2 * t
        j1 = 2 * t + 1
        pltpu.make_async_copy(x_hbm.at[idxs_v.at[j0]], buf0, gsems[0]).wait()
        h_s0 = pltpu.async_copy(buf0, acc_sh.at[idxd_v.at[j0]], ssems[0], add=True)
        h_g1 = pltpu.async_copy(x_hbm.at[idxs_v.at[j1]], buf1, gsems[1])
        h_g1.wait()
        h_s1 = pltpu.async_copy(buf1, acc_sh.at[idxd_v.at[j1]], ssems[1], add=True)
        h_s0.wait()

        @pl.when(t + 1 < _SPT)
        def _():
            pltpu.async_copy(x_hbm.at[idxs_v.at[j0 + 2]], buf0, gsems[0])

        h_s1.wait()
        return 0

    lax.fori_loop(0, _SPT, body, 0)
    plsc.subcore_barrier()
    pltpu.sync_copy(acc_sh.at[pl.ds(base, _RPT)], out_hbm.at[c, pl.ds(base, _RPT)])


_agg = pl.kernel(
    _agg_body,
    out_type=jax.ShapeDtypeStruct((_NC, _NP, _D2), jnp.float32),
    mesh=_mesh,
    scratch_types=[
        pltpu.VMEM((_CPT, _CH), jnp.int32),
        pltpu.VMEM((_CPT, _CH), jnp.int32),
        [pltpu.VMEM((_CH, _D2), jnp.float32) for _ in range(_NB)],
        pltpu.VMEM_SHARED((_NP, _D2), jnp.float32),
        [pltpu.SemaphoreType.DMA for _ in range(_NB)],
        [pltpu.SemaphoreType.DMA for _ in range(_NB)],
    ],
)


def _mm1_body(hout_ref, hin_ref, x_ref, w_ref, y_ref, so_ref, si_ref):
    do = jnp.sum(hout_ref[...], axis=1)
    di = jnp.sum(hin_ref[...], axis=1)
    so = lax.rsqrt(jnp.maximum(do, 1.0))
    si = lax.rsqrt(jnp.maximum(di, 1.0))
    so_ref[...] = so[None]
    si_ref[...] = si[None]
    x = x_ref[...] * so[:, :, None]
    y_ref[...] = jnp.dot(
        x.reshape(_RB, _D1), w_ref[...], preferred_element_type=jnp.float32
    )


def _mm1(hout3, hin3, feats3, w1):
    return pl.pallas_call(
        _mm1_body,
        grid=(_GRID,),
        compiler_params=pltpu.CompilerParams(
            allow_input_fusion=[False, False, True, False]),
        in_specs=[
            pl.BlockSpec((_RB3, _NW, 128), lambda b: (b, 0, 0)),
            pl.BlockSpec((_RB3, _NW, 128), lambda b: (b, 0, 0)),
            pl.BlockSpec((_RB3, 128, _D1), lambda b: (b, 0, 0)),
            pl.BlockSpec((_D1, _D2), lambda b: (0, 0)),
        ],
        out_specs=[
            pl.BlockSpec((_RB, _D2), lambda b: (b, 0)),
            pl.BlockSpec((1, _RB3, 128), lambda b: (b, 0, 0)),
            pl.BlockSpec((1, _RB3, 128), lambda b: (b, 0, 0)),
        ],
        out_shape=[
            jax.ShapeDtypeStruct((_NP, _D2), jnp.float32),
            jax.ShapeDtypeStruct((_GRID, _RB3, 128), jnp.float32),
            jax.ShapeDtypeStruct((_GRID, _RB3, 128), jnp.float32),
        ],
    )(hout3, hin3, feats3, w1)


def _mm2_body(p0_ref, p1_ref, si_ref, so_ref, b1_ref, w_ref, y_ref):
    p = (p0_ref[...] + p1_ref[...]).reshape(_RB3, 128, _D2)
    si = si_ref[0]
    so = so_ref[0]
    b = b1_ref[...]
    h = jnp.maximum(p * si[:, :, None] + b[0][None, None, :], 0.0)
    h = h * so[:, :, None]
    y_ref[...] = jnp.dot(
        h.reshape(_RB, _D2), w_ref[...], preferred_element_type=jnp.float32
    )


def _mm2(p0, p1, si, so, b1_2d, w2):
    return pl.pallas_call(
        _mm2_body,
        grid=(_GRID,),
        in_specs=[
            pl.BlockSpec((_RB, _D2), lambda b: (b, 0)),
            pl.BlockSpec((_RB, _D2), lambda b: (b, 0)),
            pl.BlockSpec((1, _RB3, 128), lambda b: (b, 0, 0)),
            pl.BlockSpec((1, _RB3, 128), lambda b: (b, 0, 0)),
            pl.BlockSpec((1, _D2), lambda b: (0, 0)),
            pl.BlockSpec((_D2, _D2), lambda b: (0, 0)),
        ],
        out_specs=pl.BlockSpec((_RB, _D2), lambda b: (b, 0)),
        out_shape=jax.ShapeDtypeStruct((_NP, _D2), jnp.float32),
    )(p0, p1, si, so, b1_2d, w2)


def _out_body(q0_ref, q1_ref, si_ref, b2_ref, o_ref):
    q = (q0_ref[...] + q1_ref[...]).reshape(_RB3, 128, _D2)
    si = si_ref[0]
    b = b2_ref[...]
    o = jnp.maximum(q * si[:, :, None] + b[0][None, None, :], 0.0)
    o_ref[...] = o.reshape(_RB, _D2)


def _out(q0, q1, si, b2_2d):
    return pl.pallas_call(
        _out_body,
        grid=(_GRID,),
        in_specs=[
            pl.BlockSpec((_RB, _D2), lambda b: (b, 0)),
            pl.BlockSpec((_RB, _D2), lambda b: (b, 0)),
            pl.BlockSpec((1, _RB3, 128), lambda b: (b, 0, 0)),
            pl.BlockSpec((1, _D2), lambda b: (0, 0)),
        ],
        out_specs=pl.BlockSpec((_RB, _D2), lambda b: (b, 0)),
        out_shape=jax.ShapeDtypeStruct((_NP, _D2), jnp.float32),
    )(q0, q1, si, b2_2d)


def kernel(feats, edge_index, W1, b1, W2, b2):
    src = edge_index[0].astype(jnp.int32)
    dst = edge_index[1].astype(jnp.int32)
    pad = _N + (jnp.arange(_EP - _E, dtype=jnp.int32) % (_NP - _N))
    src2 = jnp.concatenate([src, pad]).reshape(_NCH, _CH)
    dst2 = jnp.concatenate([dst, pad]).reshape(_NCH, _CH)
    feats3 = jnp.pad(feats, ((0, _NP - _N), (0, 0))).reshape(_NP // 128, 128, _D1)

    hout3, hin3 = _deg(src2, dst2)

    x1, so, si = _mm1(hout3, hin3, feats3, W1)
    p = _agg(x1, src2, dst2)
    x2 = _mm2(p[0], p[1], si, so, b1.reshape(1, _D2), W2)
    q = _agg(x2, src2, dst2)
    out = _out(q[0], q[1], si, b2.reshape(1, _D2))
    return out[:_N]

# --- scband reference (transcript-rebuilt; emitter-appended) ---
"""Pipeline reference for scband-gcnencoder-39694087750361 (READ-ONLY COPY).

The authoritative reference and input builder live on the scoring server;
editing this copy changes nothing except your own understanding.
"""

import jax, jax.numpy as jnp
import numpy as np

N_NODES = 10000
N_EDGES = 160000
IN_SIZE = 256
EMBED = 128


def setup_inputs(seed: int = 0) -> dict:
    key = jax.random.key(seed)
    k1, k2, k3, k4, k5, k6 = jax.random.split(key, 6)
    feats = jax.random.normal(k1, (N_NODES, IN_SIZE), dtype=jnp.float32)
    edge_index = jax.random.randint(k2, (2, N_EDGES), 0, N_NODES, dtype=jnp.int64)
    # Glorot init like DGL GraphConv
    W1 = jax.random.normal(k3, (IN_SIZE, EMBED), dtype=jnp.float32) * (2.0 / (IN_SIZE + EMBED)) ** 0.5
    b1 = jnp.zeros((EMBED,), dtype=jnp.float32)
    W2 = jax.random.normal(k4, (EMBED, EMBED), dtype=jnp.float32) * (2.0 / (EMBED + EMBED)) ** 0.5
    b2 = jnp.zeros((EMBED,), dtype=jnp.float32)
    return {"feats": feats, "edge_index": edge_index, "W1": W1, "b1": b1, "W2": W2, "b2": b2}


def _graph_conv(h, W, b, src, dst, n_nodes):
    # DGL GraphConv, norm='both', activation=relu
    deg_out = jnp.clip(jnp.zeros((n_nodes,), dtype=h.dtype).at[src].add(1.0), 1.0)
    deg_in = jnp.clip(jnp.zeros((n_nodes,), dtype=h.dtype).at[dst].add(1.0), 1.0)
    h = h * jnp.power(deg_out, -0.5)[:, None]
    h = h @ W
    agg = jnp.zeros((n_nodes, W.shape[1]), dtype=h.dtype).at[dst].add(h[src])
    agg = agg * jnp.power(deg_in, -0.5)[:, None]
    return jax.nn.relu(agg + b)


def reference(feats, edge_index, W1, b1, W2, b2):
    src = edge_index[0]
    dst = edge_index[1]
    h = _graph_conv(feats, W1, b1, src, dst, N_NODES)
    h = _graph_conv(h, W2, b2, src, dst, N_NODES)
    return h

if __name__ == "__main__":
    import jax
    _d = setup_inputs()
    print(jax.jit(kernel)(*tuple(_d.values())))

</pallas_src>

<mosaic_0001>
#map = affine_map<(d0, d1) -> (0, 0)>
#map1 = affine_map<(d0, d1) -> (0, 0, 0)>
module attributes {stable_mosaic.version = 14 : i64} {
  func.func @_deg_body(%arg0: i32, %arg1: i32, %arg2: memref<1280x128xi32, #tpu.memory_space<hbm>>, %arg3: memref<1280x128xi32, #tpu.memory_space<hbm>>, %arg4: memref<80x32x128xf32, #tpu.memory_space<hbm>>, %arg5: memref<80x32x128xf32, #tpu.memory_space<hbm>>, %arg6: memref<40x128xi32, #tpu.memory_space<vmem>>, %arg7: memref<40x128xi32, #tpu.memory_space<vmem>>, %arg8: memref<80x128xf32, #tpu.memory_space<vmem>>, %arg9: memref<80x128xf32, #tpu.memory_space<vmem>>) attributes {dimension_semantics = [#tpu.dimension_semantics<core_parallel>, #tpu.dimension_semantics<subcore_parallel>], iteration_bounds = array<i64: 2, 16>, scalar_prefetch = 0 : i64, scratch_operands = 4 : i64, tpu.core_type = #tpu.core_type<sc_vector_subcore>, window_params = [{transform_indices = #map}, {transform_indices = #map}, {transform_indices = #map1}, {transform_indices = #map1}]} {
    %mul3A = arith.constant 16 : i32
    %mul3A_0 = arith.muli %arg0, %mul3A : i32
    %add3A = arith.addi %mul3A_0, %arg1 : i32
    %broadcast_in_dim3A = arith.constant 0.000000e+00 : f32
    %broadcast_in_dim3A_1 = vector.broadcast %broadcast_in_dim3A : f32 to vector<16xf32>
    %scan3A = arith.constant 0 : i32
    %scan3A_2 = arith.constant 0 : i32
    %scan3A_3 = arith.constant 80 : i32
    %scan3A_4 = arith.addi %scan3A_2, %scan3A_3 : i32
    %scan3A_5 = arith.constant 1 : i32
    %scan3A_6 = scf.for %scan3A_21 = %scan3A_2 to %scan3A_4 step %scan3A_5 iter_args(%scan3A_22 = %scan3A) -> (i32)  : i32 {
      %swap3A = arith.index_cast %scan3A_21 : i32 to index
      %swap3A_23 = arith.constant 0 : index
      %swap3A_24 = tpu.vector_load %arg8[%swap3A, %swap3A_23] {strides = array<i32>} : memref<80x128xf32, #tpu.memory_space<vmem>>, vector<16xf32>,
      tpu.vector_store %arg8[%swap3A, %swap3A_23], %broadcast_in_dim3A_1 {strides = array<i32>} : memref<80x128xf32, #tpu.memory_space<vmem>>, vector<16xf32>,
      %swap3A_25 = arith.index_cast %scan3A_21 : i32 to index
      %swap3A_26 = arith.constant 0 : index
      %swap3A_27 = tpu.vector_load %arg9[%swap3A_25, %swap3A_26] {strides = array<i32>} : memref<80x128xf32, #tpu.memory_space<vmem>>, vector<16xf32>,
      tpu.vector_store %arg9[%swap3A_25, %swap3A_26], %broadcast_in_dim3A_1 {strides = array<i32>} : memref<80x128xf32, #tpu.memory_space<vmem>>, vector<16xf32>,
      %swap3A_28 = arith.index_cast %scan3A_21 : i32 to index
      %swap3A_29 = arith.constant 16 : index
      %swap3A_30 = tpu.vector_load %arg8[%swap3A_28, %swap3A_29] {strides = array<i32>} : memref<80x128xf32, #tpu.memory_space<vmem>>, vector<16xf32>,
      tpu.vector_store %arg8[%swap3A_28, %swap3A_29], %broadcast_in_dim3A_1 {strides = array<i32>} : memref<80x128xf32, #tpu.memory_space<vmem>>, vector<16xf32>,
      %swap3A_31 = arith.index_cast %scan3A_21 : i32 to index
      %swap3A_32 = arith.constant 16 : index
      %swap3A_33 = tpu.vector_load %arg9[%swap3A_31, %swap3A_32] {strides = array<i32>} : memref<80x128xf32, #tpu.memory_space<vmem>>, vector<16xf32>,
      tpu.vector_store %arg9[%swap3A_31, %swap3A_32], %broadcast_in_dim3A_1 {strides = array<i32>} : memref<80x128xf32, #tpu.memory_space<vmem>>, vector<16xf32>,
      %swap3A_34 = arith.index_cast %scan3A_21 : i32 to index
      %swap3A_35 = arith.constant 32 : index
      %swap3A_36 = tpu.vector_load %arg8[%swap3A_34, %swap3A_35] {strides = array<i32>} : memref<80x128xf32, #tpu.memory_space<vmem>>, vector<16xf32>,
      tpu.vector_store %arg8[%swap3A_34, %swap3A_35], %broadcast_in_dim3A_1 {strides = array<i32>} : memref<80x128xf32, #tpu.memory_space<vmem>>, vector<16xf32>,
      %swap3A_37 = arith.index_cast %scan3A_21 : i32 to index
      %swap3A_38 = arith.constant 32 : index
      %swap3A_39 = tpu.vector_load %arg9[%swap3A_37, %swap3A_38] {strides = array<i32>} : memref<80x128xf32, #tpu.memory_space<vmem>>, vector<16xf32>,
      tpu.vector_store %arg9[%swap3A_37, %swap3A_38], %broadcast_in_dim3A_1 {strides = array<i32>} : memref<80x128xf32, #tpu.memory_space<vmem>>, vector<16xf32>,
      %swap3A_40 = arith.index_cast %scan3A_21 : i32 to index
      %swap3A_41 = arith.constant 48 : index
      %swap3A_42 = tpu.vector_load %arg8[%swap3A_40, %swap3A_41] {strides = array<i32>} : memref<80x128xf32, #tpu.memory_space<vmem>>, vector<16xf32>,
      tpu.vector_store %arg8[%swap3A_40, %swap3A_41], %broadcast_in_dim3A_1 {strides = array<i32>} : memref<80x128xf32, #tpu.memory_space<vmem>>, vector<16xf32>,
      %swap3A_43 = arith.index_cast %scan3A_21 : i32 to index
      %swap3A_44 = arith.constant 48 : index
      %swap3A_45 = tpu.vector_load %arg9[%swap3A_43, %swap3A_44] {strides = array<i32>} : memref<80x128xf32, #tpu.memory_space<vmem>>, vector<16xf32>,
      tpu.vector_store %arg9[%swap3A_43, %swap3A_44], %broadcast_in_dim3A_1 {strides = array<i32>} : memref<80x128xf32, #tpu.memory_space<vmem>>, vector<16xf32>,
      %swap3A_46 = arith.index_cast %scan3A_21 : i32 to index
      %swap3A_47 = arith.constant 64 : index
      %swap3A_48 = tpu.vector_load %arg8[%swap3A_46, %swap3A_47] {strides = array<i32>} : memref<80x128xf32, #tpu.memory_space<vmem>>, vector<16xf32>,
      tpu.vector_store %arg8[%swap3A_46, %swap3A_47], %broadcast_in_dim3A_1 {strides = array<i32>} : memref<80x128xf32, #tpu.memory_space<vmem>>, vector<16xf32>,
      %swap3A_49 = arith.index_cast %scan3A_21 : i32 to index
      %swap3A_50 = arith.constant 64 : index
      %swap3A_51 = tpu.vector_load %arg9[%swap3A_49, %swap3A_50] {strides = array<i32>} : memref<80x128xf32, #tpu.memory_space<vmem>>, vector<16xf32>,
      tpu.vector_store %arg9[%swap3A_49, %swap3A_50], %broadcast_in_dim3A_1 {strides = array<i32>} : memref<80x128xf32, #tpu.memory_space<vmem>>, vector<16xf32>,
      %swap3A_52 = arith.index_cast %scan3A_21 : i32 to index
      %swap3A_53 = arith.constant 80 : index
      %swap3A_54 = tpu.vector_load %arg8[%swap3A_52, %swap3A_53] {strides = array<i32>} : memref<80x128xf32, #tpu.memory_space<vmem>>, vector<16xf32>,
      tpu.vector_store %arg8[%swap3A_52, %swap3A_53], %broadcast_in_dim3A_1 {strides = array<i32>} : memref<80x128xf32, #tpu.memory_space<vmem>>, vector<16xf32>,
      %swap3A_55 = arith.index_cast %scan3A_21 : i32 to index
      %swap3A_56 = arith.constant 80 : index
      %swap3A_57 = tpu.vector_load %arg9[%swap3A_55, %swap3A_56] {strides = array<i32>} : memref<80x128xf32, #tpu.memory_space<vmem>>, vector<16xf32>,
      tpu.vector_store %arg9[%swap3A_55, %swap3A_56], %broadcast_in_dim3A_1 {strides = array<i32>} : memref<80x128xf32, #tpu.memory_space<vmem>>, vector<16xf32>,
      %swap3A_58 = arith.index_cast %scan3A_21 : i32 to index
      %swap3A_59 = arith.constant 96 : index
      %swap3A_60 = tpu.vector_load %arg8[%swap3A_58, %swap3A_59] {strides = array<i32>} : memref<80x128xf32, #tpu.memory_space<vmem>>, vector<16xf32>,
      tpu.vector_store %arg8[%swap3A_58, %swap3A_59], %broadcast_in_dim3A_1 {strides = array<i32>} : memref<80x128xf32, #tpu.memory_space<vmem>>, vector<16xf32>,
      %swap3A_61 = arith.index_cast %scan3A_21 : i32 to index
      %swap3A_62 = arith.constant 96 : index
      %swap3A_63 = tpu.vector_load %arg9[%swap3A_61, %swap3A_62] {strides = array<i32>} : memref<80x128xf32, #tpu.memory_space<vmem>>, vector<16xf32>,
      tpu.vector_store %arg9[%swap3A_61, %swap3A_62], %broadcast_in_dim3A_1 {strides = array<i32>} : memref<80x128xf32, #tpu.memory_space<vmem>>, vector<16xf32>,
      %swap3A_64 = arith.index_cast %scan3A_21 : i32 to index
      %swap3A_65 = arith.constant 112 : index
      %swap3A_66 = tpu.vector_load %arg8[%swap3A_64, %swap3A_65] {strides = array<i32>} : memref<80x128xf32, #tpu.memory_space<vmem>>, vector<16xf32>,
      tpu.vector_store %arg8[%swap3A_64, %swap3A_65], %broadcast_in_dim3A_1 {strides = array<i32>} : memref<80x128xf32, #tpu.memory_space<vmem>>, vector<16xf32>,
      %swap3A_67 = arith.index_cast %scan3A_21 : i32 to index
      %swap3A_68 = arith.constant 112 : index
      %swap3A_69 = tpu.vector_load %arg9[%swap3A_67, %swap3A_68] {strides = array<i32>} : memref<80x128xf32, #tpu.memory_space<vmem>>, vector<16xf32>,
      tpu.vector_store %arg9[%swap3A_67, %swap3A_68], %broadcast_in_dim3A_1 {strides = array<i32>} : memref<80x128xf32, #tpu.memory_space<vmem>>, vector<16xf32>,
      %scan3A_70 = arith.constant 0 : i32
      scf.yield %scan3A_70 : i32
    }
    %scan3A_7 = arith.constant 80 : i32
    %mul3A_8 = arith.constant 40 : i32
    %mul3A_9 = arith.muli %add3A, %mul3A_8 : i32
    "tpu.region"() ({
      %run_scoped3A = tpu.sem_alloc : memref<!tpu.dma_semaphore, #tpu.memory_space<semaphore_mem>>
      %dma_start3A = arith.constant 0 : i32
      %dma_start3A_21 = tpu.memref_slice %arg2[%mul3A_9, %dma_start3A] : memref<1280x128xi32, #tpu.memory_space<hbm>> -> memref<40x128xi32, #tpu.memory_space<hbm>>
      %dma_start3A_22 = arith.constant 0 : i32
      %dma_start3A_23 = tpu.memref_slice %arg2[%mul3A_9, %dma_start3A_22] : memref<1280x128xi32, #tpu.memory_space<hbm>> -> memref<40x128xi32, #tpu.memory_space<hbm>>
      tpu.enqueue_dma source(%dma_start3A_23 : memref<40x128xi32, #tpu.memory_space<hbm>>) target(%arg6 : memref<40x128xi32, #tpu.memory_space<vmem>>) target_semaphore(%run_scoped3A : memref<!tpu.dma_semaphore, #tpu.memory_space<semaphore_mem>>)
      %dma_wait3A = arith.constant 0 : i32
      %dma_wait3A_24 = tpu.memref_slice %arg2[%mul3A_9, %dma_wait3A] : memref<1280x128xi32, #tpu.memory_space<hbm>> -> memref<40x128xi32, #tpu.memory_space<hbm>>
      %dma_wait3A_25 = arith.constant 0 : i32
      %dma_wait3A_26 = tpu.memref_slice %arg2[%mul3A_9, %dma_wait3A_25] : memref<1280x128xi32, #tpu.memory_space<hbm>> -> memref<40x128xi32, #tpu.memory_space<hbm>>
      tpu.wait_dma2 semaphore(%run_scoped3A : memref<!tpu.dma_semaphore, #tpu.memory_space<semaphore_mem>>) src(%dma_wait3A_26 : memref<40x128xi32, #tpu.memory_space<hbm>>) dst(%arg6 : memref<40x128xi32, #tpu.memory_space<vmem>>)
      tpu.yield
    }) : () -> ()
    %mul3A_10 = arith.constant 40 : i32
    %mul3A_11 = arith.muli %add3A, %mul3A_10 : i32
    "tpu.region"() ({
      %run_scoped3A = tpu.sem_alloc : memref<!tpu.dma_semaphore, #tpu.memory_space<semaphore_mem>>
      %dma_start3A = arith.constant 0 : i32
      %dma_start3A_21 = tpu.memref_slice %arg3[%mul3A_11, %dma_start3A] : memref<1280x128xi32, #tpu.memory_space<hbm>> -> memref<40x128xi32, #tpu.memory_space<hbm>>
      %dma_start3A_22 = arith.constant 0 : i32
      %dma_start3A_23 = tpu.memref_slice %arg3[%mul3A_11, %dma_start3A_22] : memref<1280x128xi32, #tpu.memory_space<hbm>> -> memref<40x128xi32, #tpu.memory_space<hbm>>
      tpu.enqueue_dma source(%dma_start3A_23 : memref<40x128xi32, #tpu.memory_space<hbm>>) target(%arg7 : memref<40x128xi32, #tpu.memory_space<vmem>>) target_semaphore(%run_scoped3A : memref<!tpu.dma_semaphore, #tpu.memory_space<semaphore_mem>>)
      %dma_wait3A = arith.constant 0 : i32
      %dma_wait3A_24 = tpu.memref_slice %arg3[%mul3A_11, %dma_wait3A] : memref<1280x128xi32, #tpu.memory_space<hbm>> -> memref<40x128xi32, #tpu.memory_space<hbm>>
      %dma_wait3A_25 = arith.constant 0 : i32
      %dma_wait3A_26 = tpu.memref_slice %arg3[%mul3A_11, %dma_wait3A_25] : memref<1280x128xi32, #tpu.memory_space<hbm>> -> memref<40x128xi32, #tpu.memory_space<hbm>>
      tpu.wait_dma2 semaphore(%run_scoped3A : memref<!tpu.dma_semaphore, #tpu.memory_space<semaphore_mem>>) src(%dma_wait3A_26 : memref<40x128xi32, #tpu.memory_space<hbm>>) dst(%arg7 : memref<40x128xi32, #tpu.memory_space<vmem>>)
      tpu.yield
    }) : () -> ()
    %broadcast_in_dim3A_12 = arith.constant 1.000000e+00 : f32
    %broadcast_in_dim3A_13 = vector.broadcast %broadcast_in_dim3A_12 : f32 to vector<16xf32>
    %scan3A_14 = arith.constant 0 : i32
    %scan3A_15 = arith.constant 0 : i32
    %scan3A_16 = arith.constant 40 : i32
    %scan3A_17 = arith.addi %scan3A_15, %scan3A_16 : i32
    %scan3A_18 = arith.constant 1 : i32
    %scan3A_19 = scf.for %scan3A_21 = %scan3A_15 to %scan3A_17 step %scan3A_18 iter_args(%scan3A_22 = %scan3A_14) -> (i32)  : i32 {
      %get3A = arith.index_cast %scan3A_21 : i32 to index
      %get3A_23 = arith.constant 0 : index
      %get3A_24 = tpu.vector_load %arg6[%get3A, %get3A_23] {strides = array<i32>} : memref<40x128xi32, #tpu.memory_space<vmem>>, vector<16xi32>,
      %shift_right_arithmetic3A = arith.constant 7 : i32
      %shift_right_arithmetic3A_25 = vector.broadcast %shift_right_arithmetic3A : i32 to vector<16xi32>
      %shift_right_arithmetic3A_26 = arith.shrsi %get3A_24, %shift_right_arithmetic3A_25 : vector<16xi32>
      %and3A = arith.constant 127 : i32
      %and3A_27 = vector.broadcast %and3A : i32 to vector<16xi32>
      %and3A_28 = arith.andi %get3A_24, %and3A_27 : vector<16xi32>
      tpu.vector_store_idx %arg8[%shift_right_arithmetic3A_26, %and3A_28], %broadcast_in_dim3A_13 {add = true} : memref<80x128xf32, #tpu.memory_space<vmem>>[vector<16xi32>, vector<16xi32>], vector<16xf32>,
      %get3A_29 = arith.index_cast %scan3A_21 : i32 to index
      %get3A_30 = arith.constant 0 : index
      %get3A_31 = tpu.vector_load %arg7[%get3A_29, %get3A_30] {strides = array<i32>} : memref<40x128xi32, #tpu.memory_space<vmem>>, vector<16xi32>,
      %shift_right_arithmetic3A_32 = arith.constant 7 : i32
      %shift_right_arithmetic3A_33 = vector.broadcast %shift_right_arithmetic3A_32 : i32 to vector<16xi32>
      %shift_right_arithmetic3A_34 = arith.shrsi %get3A_31, %shift_right_arithmetic3A_33 : vector<16xi32>
      %and3A_35 = arith.constant 127 : i32
      %and3A_36 = vector.broadcast %and3A_35 : i32 to vector<16xi32>
      %and3A_37 = arith.andi %get3A_31, %and3A_36 : vector<16xi32>
      tpu.vector_store_idx %arg9[%shift_right_arithmetic3A_34, %and3A_37], %broadcast_in_dim3A_13 {add = true} : memref<80x128xf32, #tpu.memory_space<vmem>>[vector<16xi32>, vector<16xi32>], vector<16xf32>,
      %get3A_38 = arith.index_cast %scan3A_21 : i32 to index
      %get3A_39 = arith.constant 16 : index
      %get3A_40 = tpu.vector_load %arg6[%get3A_38, %get3A_39] {strides = array<i32>} : memref<40x128xi32, #tpu.memory_space<vmem>>, vector<16xi32>,
      %shift_right_arithmetic3A_41 = arith.constant 7 : i32
      %shift_right_arithmetic3A_42 = vector.broadcast %shift_right_arithmetic3A_41 : i32 to vector<16xi32>
      %shift_right_arithmetic3A_43 = arith.shrsi %get3A_40, %shift_right_arithmetic3A_42 : vector<16xi32>
      %and3A_44 = arith.constant 127 : i32
      %and3A_45 = vector.broadcast %and3A_44 : i32 to vector<16xi32>
      %and3A_46 = arith.andi %get3A_40, %and3A_45 : vector<16xi32>
      tpu.vector_store_idx %arg8[%shift_right_arithmetic3A_43, %and3A_46], %broadcast_in_dim3A_13 {add = true} : memref<80x128xf32, #tpu.memory_space<vmem>>[vector<16xi32>, vector<16xi32>], vector<16xf32>,
      %get3A_47 = arith.index_cast %scan3A_21 : i32 to index
      %get3A_48 = arith.constant 16 : index
      %get3A_49 = tpu.vector_load %arg7[%get3A_47, %get3A_48] {strides = array<i32>} : memref<40x128xi32, #tpu.memory_space<vmem>>, vector<16xi32>,
      %shift_right_arithmetic3A_50 = arith.constant 7 : i32
      %shift_right_arithmetic3A_51 = vector.broadcast %shift_right_arithmetic3A_50 : i32 to vector<16xi32>
      %shift_right_arithmetic3A_52 = arith.shrsi %get3A_49, %shift_right_arithmetic3A_51 : vector<16xi32>
      %and3A_53 = arith.constant 127 : i32
      %and3A_54 = vector.broadcast %and3A_53 : i32 to vector<16xi32>
      %and3A_55 = arith.andi %get3A_49, %and3A_54 : vector<16xi32>
      tpu.vector_store_idx %arg9[%shift_right_arithmetic3A_52, %and3A_55], %broadcast_in_dim3A_13 {add = true} : memref<80x128xf32, #tpu.memory_space<vmem>>[vector<16xi32>, vector<16xi32>], vector<16xf32>,
      %get3A_56 = arith.index_cast %scan3A_21 : i32 to index
      %get3A_57 = arith.constant 32 : index
      %get3A_58 = tpu.vector_load %arg6[%get3A_56, %get3A_57] {strides = array<i32>} : memref<40x128xi32, #tpu.memory_space<vmem>>, vector<16xi32>,
      %shift_right_arithmetic3A_59 = arith.constant 7 : i32
      %shift_right_arithmetic3A_60 = vector.broadcast %shift_right_arithmetic3A_59 : i32 to vector<16xi32>
      %shift_right_arithmetic3A_61 = arith.shrsi %get3A_58, %shift_right_arithmetic3A_60 : vector<16xi32>
      %and3A_62 = arith.constant 127 : i32
      %and3A_63 = vector.broadcast %and3A_62 : i32 to vector<16xi32>
      %and3A_64 = arith.andi %get3A_58, %and3A_63 : vector<16xi32>
      tpu.vector_store_idx %arg8[%shift_right_arithmetic3A_61, %and3A_64], %broadcast_in_dim3A_13 {add = true} : memref<80x128xf32, #tpu.memory_space<vmem>>[vector<16xi32>, vector<16xi32>], vector<16xf32>,
      %get3A_65 = arith.index_cast %scan3A_21 : i32 to index
      %get3A_66 = arith.constant 32 : index
      %get3A_67 = tpu.vector_load %arg7[%get3A_65, %get3A_66] {strides = array<i32>} : memref<40x128xi32, #tpu.memory_space<vmem>>, vector<16xi32>,
      %shift_right_arithmetic3A_68 = arith.constant 7 : i32
      %shift_right_arithmetic3A_69 = vector.broadcast %shift_right_arithmetic3A_68 : i32 to vector<16xi32>
      %shift_right_arithmetic3A_70 = arith.shrsi %get3A_67, %shift_right_arithmetic3A_69 : vector<16xi32>
      %and3A_71 = arith.constant 127 : i32
      %and3A_72 = vector.broadcast %and3A_71 : i32 to vector<16xi32>
      %and3A_73 = arith.andi %get3A_67, %and3A_72 : vector<16xi32>
      tpu.vector_store_idx %arg9[%shift_right_arithmetic3A_70, %and3A_73], %broadcast_in_dim3A_13 {add = true} : memref<80x128xf32, #tpu.memory_space<vmem>>[vector<16xi32>, vector<16xi32>], vector<16xf32>,
      %get3A_74 = arith.index_cast %scan3A_21 : i32 to index
      %get3A_75 = arith.constant 48 : index
      %get3A_76 = tpu.vector_load %arg6[%get3A_74, %get3A_75] {strides = array<i32>} : memref<40x128xi32, #tpu.memory_space<vmem>>, vector<16xi32>,
      %shift_right_arithmetic3A_77 = arith.constant 7 : i32
      %shift_right_arithmetic3A_78 = vector.broadcast %shift_right_arithmetic3A_77 : i32 to vector<16xi32>
      %shift_right_arithmetic3A_79 = arith.shrsi %get3A_76, %shift_right_arithmetic3A_78 : vector<16xi32>
      %and3A_80 = arith.constant 127 : i32
      %and3A_81 = vector.broadcast %and3A_80 : i32 to vector<16xi32>
      %and3A_82 = arith.andi %get3A_76, %and3A_81 : vector<16xi32>
      tpu.vector_store_idx %arg8[%shift_right_arithmetic3A_79, %and3A_82], %broadcast_in_dim3A_13 {add = true} : memref<80x128xf32, #tpu.memory_space<vmem>>[vector<16xi32>, vector<16xi32>], vector<16xf32>,
      %get3A_83 = arith.index_cast %scan3A_21 : i32 to index
      %get3A_84 = arith.constant 48 : index
      %get3A_85 = tpu.vector_load %arg7[%get3A_83, %get3A_84] {strides = array<i32>} : memref<40x128xi32, #tpu.memory_space<vmem>>, vector<16xi32>,
      %shift_right_arithmetic3A_86 = arith.constant 7 : i32
      %shift_right_arithmetic3A_87 = vector.broadcast %shift_right_arithmetic3A_86 : i32 to vector<16xi32>
      %shift_right_arithmetic3A_88 = arith.shrsi %get3A_85, %shift_right_arithmetic3A_87 : vector<16xi32>
      %and3A_89 = arith.constant 127 : i32
      %and3A_90 = vector.broadcast %and3A_89 : i32 to vector<16xi32>
      %and3A_91 = arith.andi %get3A_85, %and3A_90 : vector<16xi32>
      tpu.vector_store_idx %arg9[%shift_right_arithmetic3A_88, %and3A_91], %broadcast_in_dim3A_13 {add = true} : memref<80x128xf32, #tpu.memory_space<vmem>>[vector<16xi32>, vector<16xi32>], vector<16xf32>,
      %get3A_92 = arith.index_cast %scan3A_21 : i32 to index
      %get3A_93 = arith.constant 64 : index
      %get3A_94 = tpu.vector_load %arg6[%get3A_92, %get3A_93] {strides = array<i32>} : memref<40x128xi32, #tpu.memory_space<vmem>>, vector<16xi32>,
      %shift_right_arithmetic3A_95 = arith.constant 7 : i32
      %shift_right_arithmetic3A_96 = vector.broadcast %shift_right_arithmetic3A_95 : i32 to vector<16xi32>
      %shift_right_arithmetic3A_97 = arith.shrsi %get3A_94, %shift_right_arithmetic3A_96 : vector<16xi32>
      %and3A_98 = arith.constant 127 : i32
      %and3A_99 = vector.broadcast %and3A_98 : i32 to vector<16xi32>
      %and3A_100 = arith.andi %get3A_94, %and3A_99 : vector<16xi32>
      tpu.vector_store_idx %arg8[%shift_right_arithmetic3A_97, %and3A_100], %broadcast_in_dim3A_13 {add = true} : memref<80x128xf32, #tpu.memory_space<vmem>>[vector<16xi32>, vector<16xi32>], vector<16xf32>,
      %get3A_101 = arith.index_cast %scan3A_21 : i32 to index
      %get3A_102 = arith.constant 64 : index
      %get3A_103 = tpu.vector_load %arg7[%get3A_101, %get3A_102] {strides = array<i32>} : memref<40x128xi32, #tpu.memory_space<vmem>>, vector<16xi32>,
      %shift_right_arithmetic3A_104 = arith.constant 7 : i32
      %shift_right_arithmetic3A_105 = vector.broadcast %shift_right_arithmetic3A_104 : i32 to vector<16xi32>
      %shift_right_arithmetic3A_106 = arith.shrsi %get3A_103, %shift_right_arithmetic3A_105 : vector<16xi32>
      %and3A_107 = arith.constant 127 : i32
      %and3A_108 = vector.broadcast %and3A_107 : i32 to vector<16xi32>
      %and3A_109 = arith.andi %get3A_103, %and3A_108 : vector<16xi32>
      tpu.vector_store_idx %arg9[%shift_right_arithmetic3A_106, %and3A_109], %broadcast_in_dim3A_13 {add = true} : memref<80x128xf32, #tpu.memory_space<vmem>>[vector<16xi32>, vector<16xi32>], vector<16xf32>,
      %get3A_110 = arith.index_cast %scan3A_21 : i32 to index
      %get3A_111 = arith.constant 80 : index
      %get3A_112 = tpu.vector_load %arg6[%get3A_110, %get3A_111] {strides = array<i32>} : memref<40x128xi32, #tpu.memory_space<vmem>>, vector<16xi32>,
      %shift_right_arithmetic3A_113 = arith.constant 7 : i32
      %shift_right_arithmetic3A_114 = vector.broadcast %shift_right_arithmetic3A_113 : i32 to vector<16xi32>
      %shift_right_arithmetic3A_115 = arith.shrsi %get3A_112, %shift_right_arithmetic3A_114 : vector<16xi32>
      %and3A_116 = arith.constant 127 : i32
      %and3A_117 = vector.broadcast %and3A_116 : i32 to vector<16xi32>
      %and3A_118 = arith.andi %get3A_112, %and3A_117 : vector<16xi32>
      tpu.vector_store_idx %arg8[%shift_right_arithmetic3A_115, %and3A_118], %broadcast_in_dim3A_13 {add = true} : memref<80x128xf32, #tpu.memory_space<vmem>>[vector<16xi32>, vector<16xi32>], vector<16xf32>,
      %get3A_119 = arith.index_cast %scan3A_21 : i32 to index
      %get3A_120 = arith.constant 80 : index
      %get3A_121 = tpu.vector_load %arg7[%get3A_119, %get3A_120] {strides = array<i32>} : memref<40x128xi32, #tpu.memory_space<vmem>>, vector<16xi32>,
      %shift_right_arithmetic3A_122 = arith.constant 7 : i32
      %shift_right_arithmetic3A_123 = vector.broadcast %shift_right_arithmetic3A_122 : i32 to vector<16xi32>
      %shift_right_arithmetic3A_124 = arith.shrsi %get3A_121, %shift_right_arithmetic3A_123 : vector<16xi32>
      %and3A_125 = arith.constant 127 : i32
      %and3A_126 = vector.broadcast %and3A_125 : i32 to vector<16xi32>
      %and3A_127 = arith.andi %get3A_121, %and3A_126 : vector<16xi32>
      tpu.vector_store_idx %arg9[%shift_right_arithmetic3A_124, %and3A_127], %broadcast_in_dim3A_13 {add = true} : memref<80x128xf32, #tpu.memory_space<vmem>>[vector<16xi32>, vector<16xi32>], vector<16xf32>,
      %get3A_128 = arith.index_cast %scan3A_21 : i32 to index
      %get3A_129 = arith.constant 96 : index
      %get3A_130 = tpu.vector_load %arg6[%get3A_128, %get3A_129] {strides = array<i32>} : memref<40x128xi32, #tpu.memory_space<vmem>>, vector<16xi32>,
      %shift_right_arithmetic3A_131 = arith.constant 7 : i32
      %shift_right_arithmetic3A_132 = vector.broadcast %shift_right_arithmetic3A_131 : i32 to vector<16xi32>
      %shift_right_arithmetic3A_133 = arith.shrsi %get3A_130, %shift_right_arithmetic3A_132 : vector<16xi32>
      %and3A_134 = arith.constant 127 : i32
      %and3A_135 = vector.broadcast %and3A_134 : i32 to vector<16xi32>
      %and3A_136 = arith.andi %get3A_130, %and3A_135 : vector<16xi32>
      tpu.vector_store_idx %arg8[%shift_right_arithmetic3A_133, %and3A_136], %broadcast_in_dim3A_13 {add = true} : memref<80x128xf32, #tpu.memory_space<vmem>>[vector<16xi32>, vector<16xi32>], vector<16xf32>,
      %get3A_137 = arith.index_cast %scan3A_21 : i32 to index
      %get3A_138 = arith.constant 96 : index
      %get3A_139 = tpu.vector_load %arg7[%get3A_137, %get3A_138] {strides = array<i32>} : memref<40x128xi32, #tpu.memory_space<vmem>>, vector<16xi32>,
      %shift_right_arithmetic3A_140 = arith.constant 7 : i32
      %shift_right_arithmetic3A_141 = vector.broadcast %shift_right_arithmetic3A_140 : i32 to vector<16xi32>
      %shift_right_arithmetic3A_142 = arith.shrsi %get3A_139, %shift_right_arithmetic3A_141 : vector<16xi32>
      %and3A_143 = arith.constant 127 : i32
      %and3A_144 = vector.broadcast %and3A_143 : i32 to vector<16xi32>
      %and3A_145 = arith.andi %get3A_139, %and3A_144 : vector<16xi32>
      tpu.vector_store_idx %arg9[%shift_right_arithmetic3A_142, %and3A_145], %broadcast_in_dim3A_13 {add = true} : memref<80x128xf32, #tpu.memory_space<vmem>>[vector<16xi32>, vector<16xi32>], vector<16xf32>,
      %get3A_146 = arith.index_cast %scan3A_21 : i32 to index
      %get3A_147 = arith.constant 112 : index
      %get3A_148 = tpu.vector_load %arg6[%get3A_146, %get3A_147] {strides = array<i32>} : memref<40x128xi32, #tpu.memory_space<vmem>>, vector<16xi32>,
      %shift_right_arithmetic3A_149 = arith.constant 7 : i32
      %shift_right_arithmetic3A_150 = vector.broadcast %shift_right_arithmetic3A_149 : i32 to vector<16xi32>
      %shift_right_arithmetic3A_151 = arith.shrsi %get3A_148, %shift_right_arithmetic3A_150 : vector<16xi32>
      %and3A_152 = arith.constant 127 : i32
      %and3A_153 = vector.broadcast %and3A_152 : i32 to vector<16xi32>
      %and3A_154 = arith.andi %get3A_148, %and3A_153 : vector<16xi32>
      tpu.vector_store_idx %arg8[%shift_right_arithmetic3A_151, %and3A_154], %broadcast_in_dim3A_13 {add = true} : memref<80x128xf32, #tpu.memory_space<vmem>>[vector<16xi32>, vector<16xi32>], vector<16xf32>,
      %get3A_155 = arith.index_cast %scan3A_21 : i32 to index
      %get3A_156 = arith.constant 112 : index
      %get3A_157 = tpu.vector_load %arg7[%get3A_155, %get3A_156] {strides = array<i32>} : memref<40x128xi32, #tpu.memory_space<vmem>>, vector<16xi32>,
      %shift_right_arithmetic3A_158 = arith.constant 7 : i32
      %shift_right_arithmetic3A_159 = vector.broadcast %shift_right_arithmetic3A_158 : i32 to vector<16xi32>
      %shift_right_arithmetic3A_160 = arith.shrsi %get3A_157, %shift_right_arithmetic3A_159 : vector<16xi32>
      %and3A_161 = arith.constant 127 : i32
      %and3A_162 = vector.broadcast %and3A_161 : i32 to vector<16xi32>
      %and3A_163 = arith.andi %get3A_157, %and3A_162 : vector<16xi32>
      tpu.vector_store_idx %arg9[%shift_right_arithmetic3A_160, %and3A_163], %broadcast_in_dim3A_13 {add = true} : memref<80x128xf32, #tpu.memory_space<vmem>>[vector<16xi32>, vector<16xi32>], vector<16xf32>,
      %scan3A_164 = arith.constant 0 : i32
      scf.yield %scan3A_164 : i32
    }
    %scan3A_20 = arith.constant 40 : i32
    "tpu.region"() ({
      %run_scoped3A = tpu.sem_alloc : memref<!tpu.dma_semaphore, #tpu.memory_space<semaphore_mem>>
      %dma_start3A = arith.constant 0 : i32
      %dma_start3A_21 = arith.constant 0 : i32
      %dma_start3A_22 = tpu.memref_slice %arg4[%dma_start3A, %add3A, %dma_start3A_21] : memref<80x32x128xf32, #tpu.memory_space<hbm>> -> memref<80x1x128xf32, #tpu.memory_space<hbm>>
      %dma_start3A_23 = tpu.memref_squeeze %dma_start3A_22 : memref<80x1x128xf32, #tpu.memory_space<hbm>> -> memref<80x128xf32, #tpu.memory_space<hbm>>
      %dma_start3A_24 = arith.constant 0 : i32
      %dma_start3A_25 = arith.constant 0 : i32
      %dma_start3A_26 = tpu.memref_slice %arg4[%dma_start3A_24, %add3A, %dma_start3A_25] : memref<80x32x128xf32, #tpu.memory_space<hbm>> -> memref<80x1x128xf32, #tpu.memory_space<hbm>>
      %dma_start3A_27 = tpu.memref_squeeze %dma_start3A_26 : memref<80x1x128xf32, #tpu.memory_space<hbm>> -> memref<80x128xf32, #tpu.memory_space<hbm>>
      tpu.enqueue_dma source(%arg8 : memref<80x128xf32, #tpu.memory_space<vmem>>) target(%dma_start3A_27 : memref<80x128xf32, #tpu.memory_space<hbm>>) target_semaphore(%run_scoped3A : memref<!tpu.dma_semaphore, #tpu.memory_space<semaphore_mem>>)
      %dma_wait3A = arith.constant 0 : i32
      %dma_wait3A_28 = arith.constant 0 : i32
      %dma_wait3A_29 = tpu.memref_slice %arg4[%dma_wait3A, %add3A, %dma_wait3A_28] : memref<80x32x128xf32, #tpu.memory_space<hbm>> -> memref<80x1x128xf32, #tpu.memory_space<hbm>>
      %dma_wait3A_30 = tpu.memref_squeeze %dma_wait3A_29 : memref<80x1x128xf32, #tpu.memory_space<hbm>> -> memref<80x128xf32, #tpu.memory_space<hbm>>
      %dma_wait3A_31 = arith.constant 0 : i32
      %dma_wait3A_32 = arith.constant 0 : i32
      %dma_wait3A_33 = tpu.memref_slice %arg4[%dma_wait3A_31, %add3A, %dma_wait3A_32] : memref<80x32x128xf32, #tpu.memory_space<hbm>> -> memref<80x1x128xf32, #tpu.memory_space<hbm>>
      %dma_wait3A_34 = tpu.memref_squeeze %dma_wait3A_33 : memref<80x1x128xf32, #tpu.memory_space<hbm>> -> memref<80x128xf32, #tpu.memory_space<hbm>>
      tpu.wait_dma2 semaphore(%run_scoped3A : memref<!tpu.dma_semaphore, #tpu.memory_space<semaphore_mem>>) src(%arg8 : memref<80x128xf32, #tpu.memory_space<vmem>>) dst(%dma_wait3A_34 : memref<80x128xf32, #tpu.memory_space<hbm>>)
      tpu.yield
    }) : () -> ()
    "tpu.region"() ({
      %run_scoped3A = tpu.sem_alloc : memref<!tpu.dma_semaphore, #tpu.memory_space<semaphore_mem>>
      %dma_start3A = arith.constant 0 : i32
      %dma_start3A_21 = arith.constant 0 : i32
      %dma_start3A_22 = tpu.memref_slice %arg5[%dma_start3A, %add3A, %dma_start3A_21] : memref<80x32x128xf32, #tpu.memory_space<hbm>> -> memref<80x1x128xf32, #tpu.memory_space<hbm>>
      %dma_start3A_23 = tpu.memref_squeeze %dma_start3A_22 : memref<80x1x128xf32, #tpu.memory_space<hbm>> -> memref<80x128xf32, #tpu.memory_space<hbm>>
      %dma_start3A_24 = arith.constant 0 : i32
      %dma_start3A_25 = arith.constant 0 : i32
      %dma_start3A_26 = tpu.memref_slice %arg5[%dma_start3A_24, %add3A, %dma_start3A_25] : memref<80x32x128xf32, #tpu.memory_space<hbm>> -> memref<80x1x128xf32, #tpu.memory_space<hbm>>
      %dma_start3A_27 = tpu.memref_squeeze %dma_start3A_26 : memref<80x1x128xf32, #tpu.memory_space<hbm>> -> memref<80x128xf32, #tpu.memory_space<hbm>>
      tpu.enqueue_dma source(%arg9 : memref<80x128xf32, #tpu.memory_space<vmem>>) target(%dma_start3A_27 : memref<80x128xf32, #tpu.memory_space<hbm>>) target_semaphore(%run_scoped3A : memref<!tpu.dma_semaphore, #tpu.memory_space<semaphore_mem>>)
      %dma_wait3A = arith.constant 0 : i32
      %dma_wait3A_28 = arith.constant 0 : i32
      %dma_wait3A_29 = tpu.memref_slice %arg5[%dma_wait3A, %add3A, %dma_wait3A_28] : memref<80x32x128xf32, #tpu.memory_space<hbm>> -> memref<80x1x128xf32, #tpu.memory_space<hbm>>
      %dma_wait3A_30 = tpu.memref_squeeze %dma_wait3A_29 : memref<80x1x128xf32, #tpu.memory_space<hbm>> -> memref<80x128xf32, #tpu.memory_space<hbm>>
      %dma_wait3A_31 = arith.constant 0 : i32
      %dma_wait3A_32 = arith.constant 0 : i32
      %dma_wait3A_33 = tpu.memref_slice %arg5[%dma_wait3A_31, %add3A, %dma_wait3A_32] : memref<80x32x128xf32, #tpu.memory_space<hbm>> -> memref<80x1x128xf32, #tpu.memory_space<hbm>>
      %dma_wait3A_34 = tpu.memref_squeeze %dma_wait3A_33 : memref<80x1x128xf32, #tpu.memory_space<hbm>> -> memref<80x128xf32, #tpu.memory_space<hbm>>
      tpu.wait_dma2 semaphore(%run_scoped3A : memref<!tpu.dma_semaphore, #tpu.memory_space<semaphore_mem>>) src(%arg9 : memref<80x128xf32, #tpu.memory_space<vmem>>) dst(%dma_wait3A_34 : memref<80x128xf32, #tpu.memory_space<hbm>>)
      tpu.yield
    }) : () -> ()
    return
  }
}

#map = affine_map<(d0, d1) -> (0, 0)>
#map1 = affine_map<(d0, d1) -> (0, 0, 0)>
module attributes {stable_mosaic.version = 14 : i64} {
  func.func @_agg_body(%arg0: i32, %arg1: i32, %arg2: memref<10240x128xf32, #tpu.memory_space<hbm>>, %arg3: memref<1280x128xi32, #tpu.memory_space<hbm>>, %arg4: memref<1280x128xi32, #tpu.memory_space<hbm>>, %arg5: memref<2x10240x128xf32, #tpu.memory_space<hbm>>, %arg6: memref<40x128xi32, #tpu.memory_space<vmem>>, %arg7: memref<40x128xi32, #tpu.memory_space<vmem>>, %arg8: memref<128x128xf32, #tpu.memory_space<vmem>>, %arg9: memref<128x128xf32, #tpu.memory_space<vmem>>, %arg10: memref<10240x128xf32, #tpu.memory_space<vmem_shared>>, %arg11: memref<!tpu.dma_semaphore, #tpu.memory_space<semaphore_mem>>, %arg12: memref<!tpu.dma_semaphore, #tpu.memory_space<semaphore_mem>>, %arg13: memref<!tpu.dma_semaphore, #tpu.memory_space<semaphore_mem>>, %arg14: memref<!tpu.dma_semaphore, #tpu.memory_space<semaphore_mem>>) attributes {dimension_semantics = [#tpu.dimension_semantics<core_parallel>, #tpu.dimension_semantics<subcore_parallel>], iteration_bounds = array<i64: 2, 16>, scalar_prefetch = 0 : i64, scratch_operands = 9 : i64, tpu.core_type = #tpu.core_type<sc_vector_subcore>, window_params = [{transform_indices = #map}, {transform_indices = #map}, {transform_indices = #map}, {transform_indices = #map1}]} {
    %mul3A = arith.constant 16 : i32
    %mul3A_0 = arith.muli %arg0, %mul3A : i32
    %add3A = arith.addi %mul3A_0, %arg1 : i32
    %mul3A_1 = arith.constant 40 : i32
    %mul3A_2 = arith.muli %add3A, %mul3A_1 : i32
    %broadcast_in_dim3A = arith.constant 0.000000e+00 : f32
    %broadcast_in_dim3A_3 = vector.broadcast %broadcast_in_dim3A : f32 to vector<16xf32>
    "tpu.region"() ({
      %run_scoped3A = tpu.sem_alloc : memref<!tpu.dma_semaphore, #tpu.memory_space<semaphore_mem>>
      %dma_start3A_36 = arith.constant 0 : i32
      %dma_start3A_37 = tpu.memref_slice %arg3[%mul3A_2, %dma_start3A_36] : memref<1280x128xi32, #tpu.memory_space<hbm>> -> memref<40x128xi32, #tpu.memory_space<hbm>>
      %dma_start3A_38 = arith.constant 0 : i32
      %dma_start3A_39 = tpu.memref_slice %arg3[%mul3A_2, %dma_start3A_38] : memref<1280x128xi32, #tpu.memory_space<hbm>> -> memref<40x128xi32, #tpu.memory_space<hbm>>
      tpu.enqueue_dma source(%dma_start3A_39 : memref<40x128xi32, #tpu.memory_space<hbm>>) target(%arg6 : memref<40x128xi32, #tpu.memory_space<vmem>>) target_semaphore(%run_scoped3A : memref<!tpu.dma_semaphore, #tpu.memory_space<semaphore_mem>>)
      %dma_wait3A = arith.constant 0 : i32
      %dma_wait3A_40 = tpu.memref_slice %arg3[%mul3A_2, %dma_wait3A] : memref<1280x128xi32, #tpu.memory_space<hbm>> -> memref<40x128xi32, #tpu.memory_space<hbm>>
      %dma_wait3A_41 = arith.constant 0 : i32
      %dma_wait3A_42 = tpu.memref_slice %arg3[%mul3A_2, %dma_wait3A_41] : memref<1280x128xi32, #tpu.memory_space<hbm>> -> memref<40x128xi32, #tpu.memory_space<hbm>>
      tpu.wait_dma2 semaphore(%run_scoped3A : memref<!tpu.dma_semaphore, #tpu.memory_space<semaphore_mem>>) src(%dma_wait3A_42 : memref<40x128xi32, #tpu.memory_space<hbm>>) dst(%arg6 : memref<40x128xi32, #tpu.memory_space<vmem>>)
      tpu.yield
    }) : () -> ()
    "tpu.region"() ({
      %run_scoped3A = tpu.sem_alloc : memref<!tpu.dma_semaphore, #tpu.memory_space<semaphore_mem>>
      %dma_start3A_36 = arith.constant 0 : i32
      %dma_start3A_37 = tpu.memref_slice %arg4[%mul3A_2, %dma_start3A_36] : memref<1280x128xi32, #tpu.memory_space<hbm>> -> memref<40x128xi32, #tpu.memory_space<hbm>>
      %dma_start3A_38 = arith.constant 0 : i32
      %dma_start3A_39 = tpu.memref_slice %arg4[%mul3A_2, %dma_start3A_38] : memref<1280x128xi32, #tpu.memory_space<hbm>> -> memref<40x128xi32, #tpu.memory_space<hbm>>
      tpu.enqueue_dma source(%dma_start3A_39 : memref<40x128xi32, #tpu.memory_space<hbm>>) target(%arg7 : memref<40x128xi32, #tpu.memory_space<vmem>>) target_semaphore(%run_scoped3A : memref<!tpu.dma_semaphore, #tpu.memory_space<semaphore_mem>>)
      %dma_wait3A = arith.constant 0 : i32
      %dma_wait3A_40 = tpu.memref_slice %arg4[%mul3A_2, %dma_wait3A] : memref<1280x128xi32, #tpu.memory_space<hbm>> -> memref<40x128xi32, #tpu.memory_space<hbm>>
      %dma_wait3A_41 = arith.constant 0 : i32
      %dma_wait3A_42 = tpu.memref_slice %arg4[%mul3A_2, %dma_wait3A_41] : memref<1280x128xi32, #tpu.memory_space<hbm>> -> memref<40x128xi32, #tpu.memory_space<hbm>>
      tpu.wait_dma2 semaphore(%run_scoped3A : memref<!tpu.dma_semaphore, #tpu.memory_space<semaphore_mem>>) src(%dma_wait3A_42 : memref<40x128xi32, #tpu.memory_space<hbm>>) dst(%arg7 : memref<40x128xi32, #tpu.memory_space<vmem>>)
      tpu.yield
    }) : () -> ()
    %dma_start3A = arith.constant 0 : i32
    %dma_start3A_4 = arith.constant 0 : i32
    %dma_start3A_5 = tpu.memref_slice %arg6[%dma_start3A, %dma_start3A_4] : memref<40x128xi32, #tpu.memory_space<vmem>> -> memref<1x128xi32, #tpu.memory_space<vmem>>
    %dma_start3A_6 = tpu.memref_squeeze %dma_start3A_5 : memref<1x128xi32, #tpu.memory_space<vmem>> -> memref<128xi32, #tpu.memory_space<vmem>>
    %dma_start3A_7 = arith.constant 0 : i32
    %dma_start3A_8 = arith.constant 0 : i32
    %dma_start3A_9 = tpu.memref_slice %arg2[%dma_start3A_7, %dma_start3A_8] : memref<10240x128xf32, #tpu.memory_space<hbm>> -> memref<10240x128xf32, #tpu.memory_space<hbm>>
    tpu.enqueue_indirect_dma source(%dma_start3A_9 : memref<10240x128xf32, #tpu.memory_space<hbm>>) target(%arg8 : memref<128x128xf32, #tpu.memory_space<vmem>>) offsets(%dma_start3A_6 : memref<128xi32, #tpu.memory_space<vmem>>) semaphore(%arg11 : memref<!tpu.dma_semaphore, #tpu.memory_space<semaphore_mem>>)
    %scan3A = arith.constant 0 : i32
    %scan3A_10 = arith.constant 0 : i32
    %scan3A_11 = arith.constant 128 : i32
    %scan3A_12 = arith.addi %scan3A_10, %scan3A_11 : i32
    %scan3A_13 = arith.constant 1 : i32
    %scan3A_14 = scf.for %scan3A_36 = %scan3A_10 to %scan3A_12 step %scan3A_13 iter_args(%scan3A_37 = %scan3A) -> (i32)  : i32 {
      %swap3A = arith.index_cast %scan3A_36 : i32 to index
      %swap3A_38 = arith.constant 0 : index
      %swap3A_39 = tpu.vector_load %arg9[%swap3A, %swap3A_38] {strides = array<i32>} : memref<128x128xf32, #tpu.memory_space<vmem>>, vector<1x16xf32>,
      %swap3A_40 = vector.shape_cast %swap3A_39 : vector<1x16xf32> to vector<16xf32>
      %swap3A_41 = vector.shape_cast %broadcast_in_dim3A_3 : vector<16xf32> to vector<1x16xf32>
      tpu.vector_store %arg9[%swap3A, %swap3A_38], %swap3A_41 {strides = array<i32>} : memref<128x128xf32, #tpu.memory_space<vmem>>, vector<1x16xf32>,
      %swap3A_42 = arith.index_cast %scan3A_36 : i32 to index
      %swap3A_43 = arith.constant 16 : index
      %swap3A_44 = tpu.vector_load %arg9[%swap3A_42, %swap3A_43] {strides = array<i32>} : memref<128x128xf32, #tpu.memory_space<vmem>>, vector<1x16xf32>,
      %swap3A_45 = vector.shape_cast %swap3A_44 : vector<1x16xf32> to vector<16xf32>
      %swap3A_46 = vector.shape_cast %broadcast_in_dim3A_3 : vector<16xf32> to vector<1x16xf32>
      tpu.vector_store %arg9[%swap3A_42, %swap3A_43], %swap3A_46 {strides = array<i32>} : memref<128x128xf32, #tpu.memory_space<vmem>>, vector<1x16xf32>,
      %swap3A_47 = arith.index_cast %scan3A_36 : i32 to index
      %swap3A_48 = arith.constant 32 : index
      %swap3A_49 = tpu.vector_load %arg9[%swap3A_47, %swap3A_48] {strides = array<i32>} : memref<128x128xf32, #tpu.memory_space<vmem>>, vector<1x16xf32>,
      %swap3A_50 = vector.shape_cast %swap3A_49 : vector<1x16xf32> to vector<16xf32>
      %swap3A_51 = vector.shape_cast %broadcast_in_dim3A_3 : vector<16xf32> to vector<1x16xf32>
      tpu.vector_store %arg9[%swap3A_47, %swap3A_48], %swap3A_51 {strides = array<i32>} : memref<128x128xf32, #tpu.memory_space<vmem>>, vector<1x16xf32>,
      %swap3A_52 = arith.index_cast %scan3A_36 : i32 to index
      %swap3A_53 = arith.constant 48 : index
      %swap3A_54 = tpu.vector_load %arg9[%swap3A_52, %swap3A_53] {strides = array<i32>} : memref<128x128xf32, #tpu.memory_space<vmem>>, vector<1x16xf32>,
      %swap3A_55 = vector.shape_cast %swap3A_54 : vector<1x16xf32> to vector<16xf32>
      %swap3A_56 = vector.shape_cast %broadcast_in_dim3A_3 : vector<16xf32> to vector<1x16xf32>
      tpu.vector_store %arg9[%swap3A_52, %swap3A_53], %swap3A_56 {strides = array<i32>} : memref<128x128xf32, #tpu.memory_space<vmem>>, vector<1x16xf32>,
      %swap3A_57 = arith.index_cast %scan3A_36 : i32 to index
      %swap3A_58 = arith.constant 64 : index
      %swap3A_59 = tpu.vector_load %arg9[%swap3A_57, %swap3A_58] {strides = array<i32>} : memref<128x128xf32, #tpu.memory_space<vmem>>, vector<1x16xf32>,
      %swap3A_60 = vector.shape_cast %swap3A_59 : vector<1x16xf32> to vector<16xf32>
      %swap3A_61 = vector.shape_cast %broadcast_in_dim3A_3 : vector<16xf32> to vector<1x16xf32>
      tpu.vector_store %arg9[%swap3A_57, %swap3A_58], %swap3A_61 {strides = array<i32>} : memref<128x128xf32, #tpu.memory_space<vmem>>, vector<1x16xf32>,
      %swap3A_62 = arith.index_cast %scan3A_36 : i32 to index
      %swap3A_63 = arith.constant 80 : index
      %swap3A_64 = tpu.vector_load %arg9[%swap3A_62, %swap3A_63] {strides = array<i32>} : memref<128x128xf32, #tpu.memory_space<vmem>>, vector<1x16xf32>,
      %swap3A_65 = vector.shape_cast %swap3A_64 : vector<1x16xf32> to vector<16xf32>
      %swap3A_66 = vector.shape_cast %broadcast_in_dim3A_3 : vector<16xf32> to vector<1x16xf32>
      tpu.vector_store %arg9[%swap3A_62, %swap3A_63], %swap3A_66 {strides = array<i32>} : memref<128x128xf32, #tpu.memory_space<vmem>>, vector<1x16xf32>,
      %swap3A_67 = arith.index_cast %scan3A_36 : i32 to index
      %swap3A_68 = arith.constant 96 : index
      %swap3A_69 = tpu.vector_load %arg9[%swap3A_67, %swap3A_68] {strides = array<i32>} : memref<128x128xf32, #tpu.memory_space<vmem>>, vector<1x16xf32>,
      %swap3A_70 = vector.shape_cast %swap3A_69 : vector<1x16xf32> to vector<16xf32>
      %swap3A_71 = vector.shape_cast %broadcast_in_dim3A_3 : vector<16xf32> to vector<1x16xf32>
      tpu.vector_store %arg9[%swap3A_67, %swap3A_68], %swap3A_71 {strides = array<i32>} : memref<128x128xf32, #tpu.memory_space<vmem>>, vector<1x16xf32>,
      %swap3A_72 = arith.index_cast %scan3A_36 : i32 to index
      %swap3A_73 = arith.constant 112 : index
      %swap3A_74 = tpu.vector_load %arg9[%swap3A_72, %swap3A_73] {strides = array<i32>} : memref<128x128xf32, #tpu.memory_space<vmem>>, vector<1x16xf32>,
      %swap3A_75 = vector.shape_cast %swap3A_74 : vector<1x16xf32> to vector<16xf32>
      %swap3A_76 = vector.shape_cast %broadcast_in_dim3A_3 : vector<16xf32> to vector<1x16xf32>
      tpu.vector_store %arg9[%swap3A_72, %swap3A_73], %swap3A_76 {strides = array<i32>} : memref<128x128xf32, #tpu.memory_space<vmem>>, vector<1x16xf32>,
      %scan3A_77 = arith.constant 0 : i32
      scf.yield %scan3A_77 : i32
    }
    %scan3A_15 = arith.constant 128 : i32
    %mul3A_16 = arith.constant 640 : i32
    %mul3A_17 = arith.muli %arg1, %mul3A_16 : i32
    %add3A_18 = arith.constant 0 : i32
    %add3A_19 = arith.addi %mul3A_17, %add3A_18 : i32
    "tpu.region"() ({
      %run_scoped3A = tpu.sem_alloc : memref<!tpu.dma_semaphore, #tpu.memory_space<semaphore_mem>>
      %dma_start3A_36 = arith.constant 0 : i32
      %dma_start3A_37 = tpu.memref_slice %arg10[%add3A_19, %dma_start3A_36] : memref<10240x128xf32, #tpu.memory_space<vmem_shared>> -> memref<128x128xf32, #tpu.memory_space<vmem_shared>>
      %dma_start3A_38 = arith.constant 0 : i32
      %dma_start3A_39 = tpu.memref_slice %arg10[%add3A_19, %dma_start3A_38] : memref<10240x128xf32, #tpu.memory_space<vmem_shared>> -> memref<128x128xf32, #tpu.memory_space<vmem_shared>>
      tpu.enqueue_dma source(%arg9 : memref<128x128xf32, #tpu.memory_space<vmem>>) target(%dma_start3A_39 : memref<128x128xf32, #tpu.memory_space<vmem_shared>>) target_semaphore(%run_scoped3A : memref<!tpu.dma_semaphore, #tpu.memory_space<semaphore_mem>>)
      %dma_wait3A = arith.constant 0 : i32
      %dma_wait3A_40 = tpu.memref_slice %arg10[%add3A_19, %dma_wait3A] : memref<10240x128xf32, #tpu.memory_space<vmem_shared>> -> memref<128x128xf32, #tpu.memory_space<vmem_shared>>
      %dma_wait3A_41 = arith.constant 0 : i32
      %dma_wait3A_42 = tpu.memref_slice %arg10[%add3A_19, %dma_wait3A_41] : memref<10240x128xf32, #tpu.memory_space<vmem_shared>> -> memref<128x128xf32, #tpu.memory_space<vmem_shared>>
      tpu.wait_dma2 semaphore(%run_scoped3A : memref<!tpu.dma_semaphore, #tpu.memory_space<semaphore_mem>>) src(%arg9 : memref<128x128xf32, #tpu.memory_space<vmem>>) dst(%dma_wait3A_42 : memref<128x128xf32, #tpu.memory_space<vmem_shared>>)
      tpu.yield
    }) : () -> ()
    %add3A_20 = arith.constant 128 : i32
    %add3A_21 = arith.addi %mul3A_17, %add3A_20 : i32
    "tpu.region"() ({
      %run_scoped3A = tpu.sem_alloc : memref<!tpu.dma_semaphore, #tpu.memory_space<semaphore_mem>>
      %dma_start3A_36 = arith.constant 0 : i32
      %dma_start3A_37 = tpu.memref_slice %arg10[%add3A_21, %dma_start3A_36] : memref<10240x128xf32, #tpu.memory_space<vmem_shared>> -> memref<128x128xf32, #tpu.memory_space<vmem_shared>>
      %dma_start3A_38 = arith.constant 0 : i32
      %dma_start3A_39 = tpu.memref_slice %arg10[%add3A_21, %dma_start3A_38] : memref<10240x128xf32, #tpu.memory_space<vmem_shared>> -> memref<128x128xf32, #tpu.memory_space<vmem_shared>>
      tpu.enqueue_dma source(%arg9 : memref<128x128xf32, #tpu.memory_space<vmem>>) target(%dma_start3A_39 : memref<128x128xf32, #tpu.memory_space<vmem_shared>>) target_semaphore(%run_scoped3A : memref<!tpu.dma_semaphore, #tpu.memory_space<semaphore_mem>>)
      %dma_wait3A = arith.constant 0 : i32
      %dma_wait3A_40 = tpu.memref_slice %arg10[%add3A_21, %dma_wait3A] : memref<10240x128xf32, #tpu.memory_space<vmem_shared>> -> memref<128x128xf32, #tpu.memory_space<vmem_shared>>
      %dma_wait3A_41 = arith.constant 0 : i32
      %dma_wait3A_42 = tpu.memref_slice %arg10[%add3A_21, %dma_wait3A_41] : memref<10240x128xf32, #tpu.memory_space<vmem_shared>> -> memref<128x128xf32, #tpu.memory_space<vmem_shared>>
      tpu.wait_dma2 semaphore(%run_scoped3A : memref<!tpu.dma_semaphore, #tpu.memory_space<semaphore_mem>>) src(%arg9 : memref<128x128xf32, #tpu.memory_space<vmem>>) dst(%dma_wait3A_42 : memref<128x128xf32, #tpu.memory_space<vmem_shared>>)
      tpu.yield
    }) : () -> ()
    %add3A_22 = arith.constant 256 : i32
    %add3A_23 = arith.addi %mul3A_17, %add3A_22 : i32
    "tpu.region"() ({
      %run_scoped3A = tpu.sem_alloc : memref<!tpu.dma_semaphore, #tpu.memory_space<semaphore_mem>>
      %dma_start3A_36 = arith.constant 0 : i32
      %dma_start3A_37 = tpu.memref_slice %arg10[%add3A_23, %dma_start3A_36] : memref<10240x128xf32, #tpu.memory_space<vmem_shared>> -> memref<128x128xf32, #tpu.memory_space<vmem_shared>>
      %dma_start3A_38 = arith.constant 0 : i32
      %dma_start3A_39 = tpu.memref_slice %arg10[%add3A_23, %dma_start3A_38] : memref<10240x128xf32, #tpu.memory_space<vmem_shared>> -> memref<128x128xf32, #tpu.memory_space<vmem_shared>>
      tpu.enqueue_dma source(%arg9 : memref<128x128xf32, #tpu.memory_space<vmem>>) target(%dma_start3A_39 : memref<128x128xf32, #tpu.memory_space<vmem_shared>>) target_semaphore(%run_scoped3A : memref<!tpu.dma_semaphore, #tpu.memory_space<semaphore_mem>>)
      %dma_wait3A = arith.constant 0 : i32
      %dma_wait3A_40 = tpu.memref_slice %arg10[%add3A_23, %dma_wait3A] : memref<10240x128xf32, #tpu.memory_space<vmem_shared>> -> memref<128x128xf32, #tpu.memory_space<vmem_shared>>
      %dma_wait3A_41 = arith.constant 0 : i32
      %dma_wait3A_42 = tpu.memref_slice %arg10[%add3A_23, %dma_wait3A_41] : memref<10240x128xf32, #tpu.memory_space<vmem_shared>> -> memref<128x128xf32, #tpu.memory_space<vmem_shared>>
      tpu.wait_dma2 semaphore(%run_scoped3A : memref<!tpu.dma_semaphore, #tpu.memory_space<semaphore_mem>>) src(%arg9 : memref<128x128xf32, #tpu.memory_space<vmem>>) dst(%dma_wait3A_42 : memref<128x128xf32, #tpu.memory_space<vmem_shared>>)
      tpu.yield
    }) : () -> ()
    %add3A_24 = arith.constant 384 : i32
    %add3A_25 = arith.addi %mul3A_17, %add3A_24 : i32
    "tpu.region"() ({
      %run_scoped3A = tpu.sem_alloc : memref<!tpu.dma_semaphore, #tpu.memory_space<semaphore_mem>>
      %dma_start3A_36 = arith.constant 0 : i32
      %dma_start3A_37 = tpu.memref_slice %arg10[%add3A_25, %dma_start3A_36] : memref<10240x128xf32, #tpu.memory_space<vmem_shared>> -> memref<128x128xf32, #tpu.memory_space<vmem_shared>>
      %dma_start3A_38 = arith.constant 0 : i32
      %dma_start3A_39 = tpu.memref_slice %arg10[%add3A_25, %dma_start3A_38] : memref<10240x128xf32, #tpu.memory_space<vmem_shared>> -> memref<128x128xf32, #tpu.memory_space<vmem_shared>>
      tpu.enqueue_dma source(%arg9 : memref<128x128xf32, #tpu.memory_space<vmem>>) target(%dma_start3A_39 : memref<128x128xf32, #tpu.memory_space<vmem_shared>>) target_semaphore(%run_scoped3A : memref<!tpu.dma_semaphore, #tpu.memory_space<semaphore_mem>>)
      %dma_wait3A = arith.constant 0 : i32
      %dma_wait3A_40 = tpu.memref_slice %arg10[%add3A_25, %dma_wait3A] : memref<10240x128xf32, #tpu.memory_space<vmem_shared>> -> memref<128x128xf32, #tpu.memory_space<vmem_shared>>
      %dma_wait3A_41 = arith.constant 0 : i32
      %dma_wait3A_42 = tpu.memref_slice %arg10[%add3A_25, %dma_wait3A_41] : memref<10240x128xf32, #tpu.memory_space<vmem_shared>> -> memref<128x128xf32, #tpu.memory_space<vmem_shared>>
      tpu.wait_dma2 semaphore(%run_scoped3A : memref<!tpu.dma_semaphore, #tpu.memory_space<semaphore_mem>>) src(%arg9 : memref<128x128xf32, #tpu.memory_space<vmem>>) dst(%dma_wait3A_42 : memref<128x128xf32, #tpu.memory_space<vmem_shared>>)
      tpu.yield
    }) : () -> ()
    %add3A_26 = arith.constant 512 : i32
    %add3A_27 = arith.addi %mul3A_17, %add3A_26 : i32
    "tpu.region"() ({
      %run_scoped3A = tpu.sem_alloc : memref<!tpu.dma_semaphore, #tpu.memory_space<semaphore_mem>>
      %dma_start3A_36 = arith.constant 0 : i32
      %dma_start3A_37 = tpu.memref_slice %arg10[%add3A_27, %dma_start3A_36] : memref<10240x128xf32, #tpu.memory_space<vmem_shared>> -> memref<128x128xf32, #tpu.memory_space<vmem_shared>>
      %dma_start3A_38 = arith.constant 0 : i32
      %dma_start3A_39 = tpu.memref_slice %arg10[%add3A_27, %dma_start3A_38] : memref<10240x128xf32, #tpu.memory_space<vmem_shared>> -> memref<128x128xf32, #tpu.memory_space<vmem_shared>>
      tpu.enqueue_dma source(%arg9 : memref<128x128xf32, #tpu.memory_space<vmem>>) target(%dma_start3A_39 : memref<128x128xf32, #tpu.memory_space<vmem_shared>>) target_semaphore(%run_scoped3A : memref<!tpu.dma_semaphore, #tpu.memory_space<semaphore_mem>>)
      %dma_wait3A = arith.constant 0 : i32
      %dma_wait3A_40 = tpu.memref_slice %arg10[%add3A_27, %dma_wait3A] : memref<10240x128xf32, #tpu.memory_space<vmem_shared>> -> memref<128x128xf32, #tpu.memory_space<vmem_shared>>
      %dma_wait3A_41 = arith.constant 0 : i32
      %dma_wait3A_42 = tpu.memref_slice %arg10[%add3A_27, %dma_wait3A_41] : memref<10240x128xf32, #tpu.memory_space<vmem_shared>> -> memref<128x128xf32, #tpu.memory_space<vmem_shared>>
      tpu.wait_dma2 semaphore(%run_scoped3A : memref<!tpu.dma_semaphore, #tpu.memory_space<semaphore_mem>>) src(%arg9 : memref<128x128xf32, #tpu.memory_space<vmem>>) dst(%dma_wait3A_42 : memref<128x128xf32, #tpu.memory_space<vmem_shared>>)
      tpu.yield
    }) : () -> ()
    %barrier3A = arith.constant 0 : index
    tpu.barrier barrier_id(%barrier3A)
    %scan3A_28 = arith.constant 0 : i32
    %scan3A_29 = arith.constant 0 : i32
    %scan3A_30 = arith.constant 20 : i32
    %scan3A_31 = arith.addi %scan3A_29, %scan3A_30 : i32
    %scan3A_32 = arith.constant 1 : i32
    %scan3A_33 = scf.for %scan3A_36 = %scan3A_29 to %scan3A_31 step %scan3A_32 iter_args(%scan3A_37 = %scan3A_28) -> (i32)  : i32 {
      %mul3A_38 = arith.constant 2 : i32
      %mul3A_39 = arith.muli %mul3A_38, %scan3A_36 : i32
      %mul3A_40 = arith.constant 2 : i32
      %mul3A_41 = arith.muli %mul3A_40, %scan3A_36 : i32
      %add3A_42 = arith.constant 1 : i32
      %add3A_43 = arith.addi %mul3A_41, %add3A_42 : i32
      %dma_wait3A = arith.constant 0 : i32
      %dma_wait3A_44 = tpu.memref_slice %arg6[%mul3A_39, %dma_wait3A] : memref<40x128xi32, #tpu.memory_space<vmem>> -> memref<1x128xi32, #tpu.memory_space<vmem>>
      %dma_wait3A_45 = tpu.memref_squeeze %dma_wait3A_44 : memref<1x128xi32, #tpu.memory_space<vmem>> -> memref<128xi32, #tpu.memory_space<vmem>>
      %dma_wait3A_46 = arith.constant 0 : i32
      %dma_wait3A_47 = arith.constant 0 : i32
      %dma_wait3A_48 = tpu.memref_slice %arg2[%dma_wait3A_46, %dma_wait3A_47] : memref<10240x128xf32, #tpu.memory_space<hbm>> -> memref<10240x128xf32, #tpu.memory_space<hbm>>
      tpu.wait_indirect_dma semaphore(%arg11 : memref<!tpu.dma_semaphore, #tpu.memory_space<semaphore_mem>>) src(%dma_wait3A_48 : memref<10240x128xf32, #tpu.memory_space<hbm>>) dst(%arg8 : memref<128x128xf32, #tpu.memory_space<vmem>>)
      %dma_start3A_49 = arith.constant 0 : i32
      %dma_start3A_50 = tpu.memref_slice %arg7[%mul3A_39, %dma_start3A_49] : memref<40x128xi32, #tpu.memory_space<vmem>> -> memref<1x128xi32, #tpu.memory_space<vmem>>
      %dma_start3A_51 = tpu.memref_squeeze %dma_start3A_50 : memref<1x128xi32, #tpu.memory_space<vmem>> -> memref<128xi32, #tpu.memory_space<vmem>>
      %dma_start3A_52 = arith.constant 0 : i32
      %dma_start3A_53 = arith.constant 0 : i32
      %dma_start3A_54 = tpu.memref_slice %arg10[%dma_start3A_52, %dma_start3A_53] : memref<10240x128xf32, #tpu.memory_space<vmem_shared>> -> memref<10240x128xf32, #tpu.memory_space<vmem_shared>>
      tpu.enqueue_indirect_dma source(%arg8 : memref<128x128xf32, #tpu.memory_space<vmem>>) target(%dma_start3A_54 : memref<10240x128xf32, #tpu.memory_space<vmem_shared>>) offsets(%dma_start3A_51 : memref<128xi32, #tpu.memory_space<vmem>>) semaphore(%arg13 : memref<!tpu.dma_semaphore, #tpu.memory_space<semaphore_mem>>) {add = true}
      %dma_start3A_55 = arith.constant 0 : i32
      %dma_start3A_56 = tpu.memref_slice %arg6[%add3A_43, %dma_start3A_55] : memref<40x128xi32, #tpu.memory_space<vmem>> -> memref<1x128xi32, #tpu.memory_space<vmem>>
      %dma_start3A_57 = tpu.memref_squeeze %dma_start3A_56 : memref<1x128xi32, #tpu.memory_space<vmem>> -> memref<128xi32, #tpu.memory_space<vmem>>
      %dma_start3A_58 = arith.constant 0 : i32
      %dma_start3A_59 = arith.constant 0 : i32
      %dma_start3A_60 = tpu.memref_slice %arg2[%dma_start3A_58, %dma_start3A_59] : memref<10240x128xf32, #tpu.memory_space<hbm>> -> memref<10240x128xf32, #tpu.memory_space<hbm>>
      tpu.enqueue_indirect_dma source(%dma_start3A_60 : memref<10240x128xf32, #tpu.memory_space<hbm>>) target(%arg9 : memref<128x128xf32, #tpu.memory_space<vmem>>) offsets(%dma_start3A_57 : memref<128xi32, #tpu.memory_space<vmem>>) semaphore(%arg12 : memref<!tpu.dma_semaphore, #tpu.memory_space<semaphore_mem>>)
      %dma_wait3A_61 = arith.constant 0 : i32
      %dma_wait3A_62 = tpu.memref_slice %arg6[%add3A_43, %dma_wait3A_61] : memref<40x128xi32, #tpu.memory_space<vmem>> -> memref<1x128xi32, #tpu.memory_space<vmem>>
      %dma_wait3A_63 = tpu.memref_squeeze %dma_wait3A_62 : memref<1x128xi32, #tpu.memory_space<vmem>> -> memref<128xi32, #tpu.memory_space<vmem>>
      %dma_wait3A_64 = arith.constant 0 : i32
      %dma_wait3A_65 = arith.constant 0 : i32
      %dma_wait3A_66 = tpu.memref_slice %arg2[%dma_wait3A_64, %dma_wait3A_65] : memref<10240x128xf32, #tpu.memory_space<hbm>> -> memref<10240x128xf32, #tpu.memory_space<hbm>>
      tpu.wait_indirect_dma semaphore(%arg12 : memref<!tpu.dma_semaphore, #tpu.memory_space<semaphore_mem>>) src(%dma_wait3A_66 : memref<10240x128xf32, #tpu.memory_space<hbm>>) dst(%arg9 : memref<128x128xf32, #tpu.memory_space<vmem>>)
      %dma_start3A_67 = arith.constant 0 : i32
      %dma_start3A_68 = tpu.memref_slice %arg7[%add3A_43, %dma_start3A_67] : memref<40x128xi32, #tpu.memory_space<vmem>> -> memref<1x128xi32, #tpu.memory_space<vmem>>
      %dma_start3A_69 = tpu.memref_squeeze %dma_start3A_68 : memref<1x128xi32, #tpu.memory_space<vmem>> -> memref<128xi32, #tpu.memory_space<vmem>>
      %dma_start3A_70 = arith.constant 0 : i32
      %dma_start3A_71 = arith.constant 0 : i32
      %dma_start3A_72 = tpu.memref_slice %arg10[%dma_start3A_70, %dma_start3A_71] : memref<10240x128xf32, #tpu.memory_space<vmem_shared>> -> memref<10240x128xf32, #tpu.memory_space<vmem_shared>>
      tpu.enqueue_indirect_dma source(%arg9 : memref<128x128xf32, #tpu.memory_space<vmem>>) target(%dma_start3A_72 : memref<10240x128xf32, #tpu.memory_space<vmem_shared>>) offsets(%dma_start3A_69 : memref<128xi32, #tpu.memory_space<vmem>>) semaphore(%arg14 : memref<!tpu.dma_semaphore, #tpu.memory_space<semaphore_mem>>) {add = true}
      %dma_wait3A_73 = arith.constant 0 : i32
      %dma_wait3A_74 = tpu.memref_slice %arg7[%mul3A_39, %dma_wait3A_73] : memref<40x128xi32, #tpu.memory_space<vmem>> -> memref<1x128xi32, #tpu.memory_space<vmem>>
      %dma_wait3A_75 = tpu.memref_squeeze %dma_wait3A_74 : memref<1x128xi32, #tpu.memory_space<vmem>> -> memref<128xi32, #tpu.memory_space<vmem>>
      %dma_wait3A_76 = arith.constant 0 : i32
      %dma_wait3A_77 = arith.constant 0 : i32
      %dma_wait3A_78 = tpu.memref_slice %arg10[%dma_wait3A_76, %dma_wait3A_77] : memref<10240x128xf32, #tpu.memory_space<vmem_shared>> -> memref<10240x128xf32, #tpu.memory_space<vmem_shared>>
      tpu.wait_indirect_dma semaphore(%arg13 : memref<!tpu.dma_semaphore, #tpu.memory_space<semaphore_mem>>) src(%arg8 : memref<128x128xf32, #tpu.memory_space<vmem>>) dst(%dma_wait3A_78 : memref<10240x128xf32, #tpu.memory_space<vmem_shared>>)
      %add3A_79 = arith.constant 1 : i32
      %add3A_80 = arith.addi %scan3A_36, %add3A_79 : i32
      %lt3A = arith.constant 20 : i32
      %lt3A_81 = arith.cmpi slt, %add3A_80, %lt3A : i32
      %convert_element_type3A = arith.extui %lt3A_81 : i1 to i32
      %cond3A = arith.constant 0 : i32
      %cond3A_82 = arith.cmpi ne, %convert_element_type3A, %cond3A : i32
      scf.if %cond3A_82 {
        %add3A_90 = arith.constant 2 : i32
        %add3A_91 = arith.addi %mul3A_39, %add3A_90 : i32
        %dma_start3A_92 = arith.constant 0 : i32
        %dma_start3A_93 = tpu.memref_slice %arg6[%add3A_91, %dma_start3A_92] : memref<40x128xi32, #tpu.memory_space<vmem>> -> memref<1x128xi32, #tpu.memory_space<vmem>>
        %dma_start3A_94 = tpu.memref_squeeze %dma_start3A_93 : memref<1x128xi32, #tpu.memory_space<vmem>> -> memref<128xi32, #tpu.memory_space<vmem>>
        %dma_start3A_95 = arith.constant 0 : i32
        %dma_start3A_96 = arith.constant 0 : i32
        %dma_start3A_97 = tpu.memref_slice %arg2[%dma_start3A_95, %dma_start3A_96] : memref<10240x128xf32, #tpu.memory_space<hbm>> -> memref<10240x128xf32, #tpu.memory_space<hbm>>
        tpu.enqueue_indirect_dma source(%dma_start3A_97 : memref<10240x128xf32, #tpu.memory_space<hbm>>) target(%arg8 : memref<128x128xf32, #tpu.memory_space<vmem>>) offsets(%dma_start3A_94 : memref<128xi32, #tpu.memory_space<vmem>>) semaphore(%arg11 : memref<!tpu.dma_semaphore, #tpu.memory_space<semaphore_mem>>)
      } else {
      }
      %dma_wait3A_83 = arith.constant 0 : i32
      %dma_wait3A_84 = tpu.memref_slice %arg7[%add3A_43, %dma_wait3A_83] : memref<40x128xi32, #tpu.memory_space<vmem>> -> memref<1x128xi32, #tpu.memory_space<vmem>>
      %dma_wait3A_85 = tpu.memref_squeeze %dma_wait3A_84 : memref<1x128xi32, #tpu.memory_space<vmem>> -> memref<128xi32, #tpu.memory_space<vmem>>
      %dma_wait3A_86 = arith.constant 0 : i32
      %dma_wait3A_87 = arith.constant 0 : i32
      %dma_wait3A_88 = tpu.memref_slice %arg10[%dma_wait3A_86, %dma_wait3A_87] : memref<10240x128xf32, #tpu.memory_space<vmem_shared>> -> memref<10240x128xf32, #tpu.memory_space<vmem_shared>>
      tpu.wait_indirect_dma semaphore(%arg14 : memref<!tpu.dma_semaphore, #tpu.memory_space<semaphore_mem>>) src(%arg9 : memref<128x128xf32, #tpu.memory_space<vmem>>) dst(%dma_wait3A_88 : memref<10240x128xf32, #tpu.memory_space<vmem_shared>>)
      %scan3A_89 = arith.constant 0 : i32
      scf.yield %scan3A_89 : i32
    }
    %scan3A_34 = arith.constant 20 : i32
    %barrier3A_35 = arith.constant 0 : index
    tpu.barrier barrier_id(%barrier3A_35)
    "tpu.region"() ({
      %run_scoped3A = tpu.sem_alloc : memref<!tpu.dma_semaphore, #tpu.memory_space<semaphore_mem>>
      %dma_start3A_36 = arith.constant 0 : i32
      %dma_start3A_37 = tpu.memref_slice %arg5[%arg0, %mul3A_17, %dma_start3A_36] : memref<2x10240x128xf32, #tpu.memory_space<hbm>> -> memref<1x640x128xf32, #tpu.memory_space<hbm>>
      %dma_start3A_38 = tpu.memref_squeeze %dma_start3A_37 : memref<1x640x128xf32, #tpu.memory_space<hbm>> -> memref<640x128xf32, #tpu.memory_space<hbm>>
      %dma_start3A_39 = arith.constant 0 : i32
      %dma_start3A_40 = tpu.memref_slice %arg10[%mul3A_17, %dma_start3A_39] : memref<10240x128xf32, #tpu.memory_space<vmem_shared>> -> memref<640x128xf32, #tpu.memory_space<vmem_shared>>
      tpu.enqueue_dma source(%dma_start3A_40 : memref<640x128xf32, #tpu.memory_space<vmem_shared>>) target(%dma_start3A_38 : memref<640x128xf32, #tpu.memory_space<hbm>>) target_semaphore(%run_scoped3A : memref<!tpu.dma_semaphore, #tpu.memory_space<semaphore_mem>>)
      %dma_wait3A = arith.constant 0 : i32
      %dma_wait3A_41 = tpu.memref_slice %arg5[%arg0, %mul3A_17, %dma_wait3A] : memref<2x10240x128xf32, #tpu.memory_space<hbm>> -> memref<1x640x128xf32, #tpu.memory_space<hbm>>
      %dma_wait3A_42 = tpu.memref_squeeze %dma_wait3A_41 : memref<1x640x128xf32, #tpu.memory_space<hbm>> -> memref<640x128xf32, #tpu.memory_space<hbm>>
      %dma_wait3A_43 = arith.constant 0 : i32
      %dma_wait3A_44 = tpu.memref_slice %arg10[%mul3A_17, %dma_wait3A_43] : memref<10240x128xf32, #tpu.memory_space<vmem_shared>> -> memref<640x128xf32, #tpu.memory_space<vmem_shared>>
      tpu.wait_dma2 semaphore(%run_scoped3A : memref<!tpu.dma_semaphore, #tpu.memory_space<semaphore_mem>>) src(%dma_wait3A_44 : memref<640x128xf32, #tpu.memory_space<vmem_shared>>) dst(%dma_wait3A_42 : memref<640x128xf32, #tpu.memory_space<hbm>>)
      tpu.yield
    }) : () -> ()
    return
  }
}

#map = affine_map<(d0, d1) -> (0, 0)>
#map1 = affine_map<(d0, d1) -> (0, 0, 0)>
module attributes {stable_mosaic.version = 14 : i64} {
  func.func @_agg_body(%arg0: i32, %arg1: i32, %arg2: memref<10240x128xf32, #tpu.memory_space<hbm>>, %arg3: memref<1280x128xi32, #tpu.memory_space<hbm>>, %arg4: memref<1280x128xi32, #tpu.memory_space<hbm>>, %arg5: memref<2x10240x128xf32, #tpu.memory_space<hbm>>, %arg6: memref<40x128xi32, #tpu.memory_space<vmem>>, %arg7: memref<40x128xi32, #tpu.memory_space<vmem>>, %arg8: memref<128x128xf32, #tpu.memory_space<vmem>>, %arg9: memref<128x128xf32, #tpu.memory_space<vmem>>, %arg10: memref<10240x128xf32, #tpu.memory_space<vmem_shared>>, %arg11: memref<!tpu.dma_semaphore, #tpu.memory_space<semaphore_mem>>, %arg12: memref<!tpu.dma_semaphore, #tpu.memory_space<semaphore_mem>>, %arg13: memref<!tpu.dma_semaphore, #tpu.memory_space<semaphore_mem>>, %arg14: memref<!tpu.dma_semaphore, #tpu.memory_space<semaphore_mem>>) attributes {dimension_semantics = [#tpu.dimension_semantics<core_parallel>, #tpu.dimension_semantics<subcore_parallel>], iteration_bounds = array<i64: 2, 16>, scalar_prefetch = 0 : i64, scratch_operands = 9 : i64, tpu.core_type = #tpu.core_type<sc_vector_subcore>, window_params = [{transform_indices = #map}, {transform_indices = #map}, {transform_indices = #map}, {transform_indices = #map1}]} {
    %mul3A = arith.constant 16 : i32
    %mul3A_0 = arith.muli %arg0, %mul3A : i32
    %add3A = arith.addi %mul3A_0, %arg1 : i32
    %mul3A_1 = arith.constant 40 : i32
    %mul3A_2 = arith.muli %add3A, %mul3A_1 : i32
    %broadcast_in_dim3A = arith.constant 0.000000e+00 : f32
    %broadcast_in_dim3A_3 = vector.broadcast %broadcast_in_dim3A : f32 to vector<16xf32>
    "tpu.region"() ({
      %run_scoped3A = tpu.sem_alloc : memref<!tpu.dma_semaphore, #tpu.memory_space<semaphore_mem>>
      %dma_start3A_36 = arith.constant 0 : i32
      %dma_start3A_37 = tpu.memref_slice %arg3[%mul3A_2, %dma_start3A_36] : memref<1280x128xi32, #tpu.memory_space<hbm>> -> memref<40x128xi32, #tpu.memory_space<hbm>>
      %dma_start3A_38 = arith.constant 0 : i32
      %dma_start3A_39 = tpu.memref_slice %arg3[%mul3A_2, %dma_start3A_38] : memref<1280x128xi32, #tpu.memory_space<hbm>> -> memref<40x128xi32, #tpu.memory_space<hbm>>
      tpu.enqueue_dma source(%dma_start3A_39 : memref<40x128xi32, #tpu.memory_space<hbm>>) target(%arg6 : memref<40x128xi32, #tpu.memory_space<vmem>>) target_semaphore(%run_scoped3A : memref<!tpu.dma_semaphore, #tpu.memory_space<semaphore_mem>>)
      %dma_wait3A = arith.constant 0 : i32
      %dma_wait3A_40 = tpu.memref_slice %arg3[%mul3A_2, %dma_wait3A] : memref<1280x128xi32, #tpu.memory_space<hbm>> -> memref<40x128xi32, #tpu.memory_space<hbm>>
      %dma_wait3A_41 = arith.constant 0 : i32
      %dma_wait3A_42 = tpu.memref_slice %arg3[%mul3A_2, %dma_wait3A_41] : memref<1280x128xi32, #tpu.memory_space<hbm>> -> memref<40x128xi32, #tpu.memory_space<hbm>>
      tpu.wait_dma2 semaphore(%run_scoped3A : memref<!tpu.dma_semaphore, #tpu.memory_space<semaphore_mem>>) src(%dma_wait3A_42 : memref<40x128xi32, #tpu.memory_space<hbm>>) dst(%arg6 : memref<40x128xi32, #tpu.memory_space<vmem>>)
      tpu.yield
    }) : () -> ()
    "tpu.region"() ({
      %run_scoped3A = tpu.sem_alloc : memref<!tpu.dma_semaphore, #tpu.memory_space<semaphore_mem>>
      %dma_start3A_36 = arith.constant 0 : i32
      %dma_start3A_37 = tpu.memref_slice %arg4[%mul3A_2, %dma_start3A_36] : memref<1280x128xi32, #tpu.memory_space<hbm>> -> memref<40x128xi32, #tpu.memory_space<hbm>>
      %dma_start3A_38 = arith.constant 0 : i32
      %dma_start3A_39 = tpu.memref_slice %arg4[%mul3A_2, %dma_start3A_38] : memref<1280x128xi32, #tpu.memory_space<hbm>> -> memref<40x128xi32, #tpu.memory_space<hbm>>
      tpu.enqueue_dma source(%dma_start3A_39 : memref<40x128xi32, #tpu.memory_space<hbm>>) target(%arg7 : memref<40x128xi32, #tpu.memory_space<vmem>>) target_semaphore(%run_scoped3A : memref<!tpu.dma_semaphore, #tpu.memory_space<semaphore_mem>>)
      %dma_wait3A = arith.constant 0 : i32
      %dma_wait3A_40 = tpu.memref_slice %arg4[%mul3A_2, %dma_wait3A] : memref<1280x128xi32, #tpu.memory_space<hbm>> -> memref<40x128xi32, #tpu.memory_space<hbm>>
      %dma_wait3A_41 = arith.constant 0 : i32
      %dma_wait3A_42 = tpu.memref_slice %arg4[%mul3A_2, %dma_wait3A_41] : memref<1280x128xi32, #tpu.memory_space<hbm>> -> memref<40x128xi32, #tpu.memory_space<hbm>>
      tpu.wait_dma2 semaphore(%run_scoped3A : memref<!tpu.dma_semaphore, #tpu.memory_space<semaphore_mem>>) src(%dma_wait3A_42 : memref<40x128xi32, #tpu.memory_space<hbm>>) dst(%arg7 : memref<40x128xi32, #tpu.memory_space<vmem>>)
      tpu.yield
    }) : () -> ()
    %dma_start3A = arith.constant 0 : i32
    %dma_start3A_4 = arith.constant 0 : i32
    %dma_start3A_5 = tpu.memref_slice %arg6[%dma_start3A, %dma_start3A_4] : memref<40x128xi32, #tpu.memory_space<vmem>> -> memref<1x128xi32, #tpu.memory_space<vmem>>
    %dma_start3A_6 = tpu.memref_squeeze %dma_start3A_5 : memref<1x128xi32, #tpu.memory_space<vmem>> -> memref<128xi32, #tpu.memory_space<vmem>>
    %dma_start3A_7 = arith.constant 0 : i32
    %dma_start3A_8 = arith.constant 0 : i32
    %dma_start3A_9 = tpu.memref_slice %arg2[%dma_start3A_7, %dma_start3A_8] : memref<10240x128xf32, #tpu.memory_space<hbm>> -> memref<10240x128xf32, #tpu.memory_space<hbm>>
    tpu.enqueue_indirect_dma source(%dma_start3A_9 : memref<10240x128xf32, #tpu.memory_space<hbm>>) target(%arg8 : memref<128x128xf32, #tpu.memory_space<vmem>>) offsets(%dma_start3A_6 : memref<128xi32, #tpu.memory_space<vmem>>) semaphore(%arg11 : memref<!tpu.dma_semaphore, #tpu.memory_space<semaphore_mem>>)
    %scan3A = arith.constant 0 : i32
    %scan3A_10 = arith.constant 0 : i32
    %scan3A_11 = arith.constant 128 : i32
    %scan3A_12 = arith.addi %scan3A_10, %scan3A_11 : i32
    %scan3A_13 = arith.constant 1 : i32
    %scan3A_14 = scf.for %scan3A_36 = %scan3A_10 to %scan3A_12 step %scan3A_13 iter_args(%scan3A_37 = %scan3A) -> (i32)  : i32 {
      %swap3A = arith.index_cast %scan3A_36 : i32 to index
      %swap3A_38 = arith.constant 0 : index
      %swap3A_39 = tpu.vector_load %arg9[%swap3A, %swap3A_38] {strides = array<i32>} : memref<128x128xf32, #tpu.memory_space<vmem>>, vector<1x16xf32>,
      %swap3A_40 = vector.shape_cast %swap3A_39 : vector<1x16xf32> to vector<16xf32>
      %swap3A_41 = vector.shape_cast %broadcast_in_dim3A_3 : vector<16xf32> to vector<1x16xf32>
      tpu.vector_store %arg9[%swap3A, %swap3A_38], %swap3A_41 {strides = array<i32>} : memref<128x128xf32, #tpu.memory_space<vmem>>, vector<1x16xf32>,
      %swap3A_42 = arith.index_cast %scan3A_36 : i32 to index
      %swap3A_43 = arith.constant 16 : index
      %swap3A_44 = tpu.vector_load %arg9[%swap3A_42, %swap3A_43] {strides = array<i32>} : memref<128x128xf32, #tpu.memory_space<vmem>>, vector<1x16xf32>,
      %swap3A_45 = vector.shape_cast %swap3A_44 : vector<1x16xf32> to vector<16xf32>
      %swap3A_46 = vector.shape_cast %broadcast_in_dim3A_3 : vector<16xf32> to vector<1x16xf32>
      tpu.vector_store %arg9[%swap3A_42, %swap3A_43], %swap3A_46 {strides = array<i32>} : memref<128x128xf32, #tpu.memory_space<vmem>>, vector<1x16xf32>,
      %swap3A_47 = arith.index_cast %scan3A_36 : i32 to index
      %swap3A_48 = arith.constant 32 : index
      %swap3A_49 = tpu.vector_load %arg9[%swap3A_47, %swap3A_48] {strides = array<i32>} : memref<128x128xf32, #tpu.memory_space<vmem>>, vector<1x16xf32>,
      %swap3A_50 = vector.shape_cast %swap3A_49 : vector<1x16xf32> to vector<16xf32>
      %swap3A_51 = vector.shape_cast %broadcast_in_dim3A_3 : vector<16xf32> to vector<1x16xf32>
      tpu.vector_store %arg9[%swap3A_47, %swap3A_48], %swap3A_51 {strides = array<i32>} : memref<128x128xf32, #tpu.memory_space<vmem>>, vector<1x16xf32>,
      %swap3A_52 = arith.index_cast %scan3A_36 : i32 to index
      %swap3A_53 = arith.constant 48 : index
      %swap3A_54 = tpu.vector_load %arg9[%swap3A_52, %swap3A_53] {strides = array<i32>} : memref<128x128xf32, #tpu.memory_space<vmem>>, vector<1x16xf32>,
      %swap3A_55 = vector.shape_cast %swap3A_54 : vector<1x16xf32> to vector<16xf32>
      %swap3A_56 = vector.shape_cast %broadcast_in_dim3A_3 : vector<16xf32> to vector<1x16xf32>
      tpu.vector_store %arg9[%swap3A_52, %swap3A_53], %swap3A_56 {strides = array<i32>} : memref<128x128xf32, #tpu.memory_space<vmem>>, vector<1x16xf32>,
      %swap3A_57 = arith.index_cast %scan3A_36 : i32 to index
      %swap3A_58 = arith.constant 64 : index
      %swap3A_59 = tpu.vector_load %arg9[%swap3A_57, %swap3A_58] {strides = array<i32>} : memref<128x128xf32, #tpu.memory_space<vmem>>, vector<1x16xf32>,
      %swap3A_60 = vector.shape_cast %swap3A_59 : vector<1x16xf32> to vector<16xf32>
      %swap3A_61 = vector.shape_cast %broadcast_in_dim3A_3 : vector<16xf32> to vector<1x16xf32>
      tpu.vector_store %arg9[%swap3A_57, %swap3A_58], %swap3A_61 {strides = array<i32>} : memref<128x128xf32, #tpu.memory_space<vmem>>, vector<1x16xf32>,
      %swap3A_62 = arith.index_cast %scan3A_36 : i32 to index
      %swap3A_63 = arith.constant 80 : index
      %swap3A_64 = tpu.vector_load %arg9[%swap3A_62, %swap3A_63] {strides = array<i32>} : memref<128x128xf32, #tpu.memory_space<vmem>>, vector<1x16xf32>,
      %swap3A_65 = vector.shape_cast %swap3A_64 : vector<1x16xf32> to vector<16xf32>
      %swap3A_66 = vector.shape_cast %broadcast_in_dim3A_3 : vector<16xf32> to vector<1x16xf32>
      tpu.vector_store %arg9[%swap3A_62, %swap3A_63], %swap3A_66 {strides = array<i32>} : memref<128x128xf32, #tpu.memory_space<vmem>>, vector<1x16xf32>,
      %swap3A_67 = arith.index_cast %scan3A_36 : i32 to index
      %swap3A_68 = arith.constant 96 : index
      %swap3A_69 = tpu.vector_load %arg9[%swap3A_67, %swap3A_68] {strides = array<i32>} : memref<128x128xf32, #tpu.memory_space<vmem>>, vector<1x16xf32>,
      %swap3A_70 = vector.shape_cast %swap3A_69 : vector<1x16xf32> to vector<16xf32>
      %swap3A_71 = vector.shape_cast %broadcast_in_dim3A_3 : vector<16xf32> to vector<1x16xf32>
      tpu.vector_store %arg9[%swap3A_67, %swap3A_68], %swap3A_71 {strides = array<i32>} : memref<128x128xf32, #tpu.memory_space<vmem>>, vector<1x16xf32>,
      %swap3A_72 = arith.index_cast %scan3A_36 : i32 to index
      %swap3A_73 = arith.constant 112 : index
      %swap3A_74 = tpu.vector_load %arg9[%swap3A_72, %swap3A_73] {strides = array<i32>} : memref<128x128xf32, #tpu.memory_space<vmem>>, vector<1x16xf32>,
      %swap3A_75 = vector.shape_cast %swap3A_74 : vector<1x16xf32> to vector<16xf32>
      %swap3A_76 = vector.shape_cast %broadcast_in_dim3A_3 : vector<16xf32> to vector<1x16xf32>
      tpu.vector_store %arg9[%swap3A_72, %swap3A_73], %swap3A_76 {strides = array<i32>} : memref<128x128xf32, #tpu.memory_space<vmem>>, vector<1x16xf32>,
      %scan3A_77 = arith.constant 0 : i32
      scf.yield %scan3A_77 : i32
    }
    %scan3A_15 = arith.constant 128 : i32
    %mul3A_16 = arith.constant 640 : i32
    %mul3A_17 = arith.muli %arg1, %mul3A_16 : i32
    %add3A_18 = arith.constant 0 : i32
    %add3A_19 = arith.addi %mul3A_17, %add3A_18 : i32
    "tpu.region"() ({
      %run_scoped3A = tpu.sem_alloc : memref<!tpu.dma_semaphore, #tpu.memory_space<semaphore_mem>>
      %dma_start3A_36 = arith.constant 0 : i32
      %dma_start3A_37 = tpu.memref_slice %arg10[%add3A_19, %dma_start3A_36] : memref<10240x128xf32, #tpu.memory_space<vmem_shared>> -> memref<128x128xf32, #tpu.memory_space<vmem_shared>>
      %dma_start3A_38 = arith.constant 0 : i32
      %dma_start3A_39 = tpu.memref_slice %arg10[%add3A_19, %dma_start3A_38] : memref<10240x128xf32, #tpu.memory_space<vmem_shared>> -> memref<128x128xf32, #tpu.memory_space<vmem_shared>>
      tpu.enqueue_dma source(%arg9 : memref<128x128xf32, #tpu.memory_space<vmem>>) target(%dma_start3A_39 : memref<128x128xf32, #tpu.memory_space<vmem_shared>>) target_semaphore(%run_scoped3A : memref<!tpu.dma_semaphore, #tpu.memory_space<semaphore_mem>>)
      %dma_wait3A = arith.constant 0 : i32
      %dma_wait3A_40 = tpu.memref_slice %arg10[%add3A_19, %dma_wait3A] : memref<10240x128xf32, #tpu.memory_space<vmem_shared>> -> memref<128x128xf32, #tpu.memory_space<vmem_shared>>
      %dma_wait3A_41 = arith.constant 0 : i32
      %dma_wait3A_42 = tpu.memref_slice %arg10[%add3A_19, %dma_wait3A_41] : memref<10240x128xf32, #tpu.memory_space<vmem_shared>> -> memref<128x128xf32, #tpu.memory_space<vmem_shared>>
      tpu.wait_dma2 semaphore(%run_scoped3A : memref<!tpu.dma_semaphore, #tpu.memory_space<semaphore_mem>>) src(%arg9 : memref<128x128xf32, #tpu.memory_space<vmem>>) dst(%dma_wait3A_42 : memref<128x128xf32, #tpu.memory_space<vmem_shared>>)
      tpu.yield
    }) : () -> ()
    %add3A_20 = arith.constant 128 : i32
    %add3A_21 = arith.addi %mul3A_17, %add3A_20 : i32
    "tpu.region"() ({
      %run_scoped3A = tpu.sem_alloc : memref<!tpu.dma_semaphore, #tpu.memory_space<semaphore_mem>>
      %dma_start3A_36 = arith.constant 0 : i32
      %dma_start3A_37 = tpu.memref_slice %arg10[%add3A_21, %dma_start3A_36] : memref<10240x128xf32, #tpu.memory_space<vmem_shared>> -> memref<128x128xf32, #tpu.memory_space<vmem_shared>>
      %dma_start3A_38 = arith.constant 0 : i32
      %dma_start3A_39 = tpu.memref_slice %arg10[%add3A_21, %dma_start3A_38] : memref<10240x128xf32, #tpu.memory_space<vmem_shared>> -> memref<128x128xf32, #tpu.memory_space<vmem_shared>>
      tpu.enqueue_dma source(%arg9 : memref<128x128xf32, #tpu.memory_space<vmem>>) target(%dma_start3A_39 : memref<128x128xf32, #tpu.memory_space<vmem_shared>>) target_semaphore(%run_scoped3A : memref<!tpu.dma_semaphore, #tpu.memory_space<semaphore_mem>>)
      %dma_wait3A = arith.constant 0 : i32
      %dma_wait3A_40 = tpu.memref_slice %arg10[%add3A_21, %dma_wait3A] : memref<10240x128xf32, #tpu.memory_space<vmem_shared>> -> memref<128x128xf32, #tpu.memory_space<vmem_shared>>
      %dma_wait3A_41 = arith.constant 0 : i32
      %dma_wait3A_42 = tpu.memref_slice %arg10[%add3A_21, %dma_wait3A_41] : memref<10240x128xf32, #tpu.memory_space<vmem_shared>> -> memref<128x128xf32, #tpu.memory_space<vmem_shared>>
      tpu.wait_dma2 semaphore(%run_scoped3A : memref<!tpu.dma_semaphore, #tpu.memory_space<semaphore_mem>>) src(%arg9 : memref<128x128xf32, #tpu.memory_space<vmem>>) dst(%dma_wait3A_42 : memref<128x128xf32, #tpu.memory_space<vmem_shared>>)
      tpu.yield
    }) : () -> ()
    %add3A_22 = arith.constant 256 : i32
    %add3A_23 = arith.addi %mul3A_17, %add3A_22 : i32
    "tpu.region"() ({
      %run_scoped3A = tpu.sem_alloc : memref<!tpu.dma_semaphore, #tpu.memory_space<semaphore_mem>>
      %dma_start3A_36 = arith.constant 0 : i32
      %dma_start3A_37 = tpu.memref_slice %arg10[%add3A_23, %dma_start3A_36] : memref<10240x128xf32, #tpu.memory_space<vmem_shared>> -> memref<128x128xf32, #tpu.memory_space<vmem_shared>>
      %dma_start3A_38 = arith.constant 0 : i32
      %dma_start3A_39 = tpu.memref_slice %arg10[%add3A_23, %dma_start3A_38] : memref<10240x128xf32, #tpu.memory_space<vmem_shared>> -> memref<128x128xf32, #tpu.memory_space<vmem_shared>>
      tpu.enqueue_dma source(%arg9 : memref<128x128xf32, #tpu.memory_space<vmem>>) target(%dma_start3A_39 : memref<128x128xf32, #tpu.memory_space<vmem_shared>>) target_semaphore(%run_scoped3A : memref<!tpu.dma_semaphore, #tpu.memory_space<semaphore_mem>>)
      %dma_wait3A = arith.constant 0 : i32
      %dma_wait3A_40 = tpu.memref_slice %arg10[%add3A_23, %dma_wait3A] : memref<10240x128xf32, #tpu.memory_space<vmem_shared>> -> memref<128x128xf32, #tpu.memory_space<vmem_shared>>
      %dma_wait3A_41 = arith.constant 0 : i32
      %dma_wait3A_42 = tpu.memref_slice %arg10[%add3A_23, %dma_wait3A_41] : memref<10240x128xf32, #tpu.memory_space<vmem_shared>> -> memref<128x128xf32, #tpu.memory_space<vmem_shared>>
      tpu.wait_dma2 semaphore(%run_scoped3A : memref<!tpu.dma_semaphore, #tpu.memory_space<semaphore_mem>>) src(%arg9 : memref<128x128xf32, #tpu.memory_space<vmem>>) dst(%dma_wait3A_42 : memref<128x128xf32, #tpu.memory_space<vmem_shared>>)
      tpu.yield
    }) : () -> ()
    %add3A_24 = arith.constant 384 : i32
    %add3A_25 = arith.addi %mul3A_17, %add3A_24 : i32
    "tpu.region"() ({
      %run_scoped3A = tpu.sem_alloc : memref<!tpu.dma_semaphore, #tpu.memory_space<semaphore_mem>>
      %dma_start3A_36 = arith.constant 0 : i32
      %dma_start3A_37 = tpu.memref_slice %arg10[%add3A_25, %dma_start3A_36] : memref<10240x128xf32, #tpu.memory_space<vmem_shared>> -> memref<128x128xf32, #tpu.memory_space<vmem_shared>>
      %dma_start3A_38 = arith.constant 0 : i32
      %dma_start3A_39 = tpu.memref_slice %arg10[%add3A_25, %dma_start3A_38] : memref<10240x128xf32, #tpu.memory_space<vmem_shared>> -> memref<128x128xf32, #tpu.memory_space<vmem_shared>>
      tpu.enqueue_dma source(%arg9 : memref<128x128xf32, #tpu.memory_space<vmem>>) target(%dma_start3A_39 : memref<128x128xf32, #tpu.memory_space<vmem_shared>>) target_semaphore(%run_scoped3A : memref<!tpu.dma_semaphore, #tpu.memory_space<semaphore_mem>>)
      %dma_wait3A = arith.constant 0 : i32
      %dma_wait3A_40 = tpu.memref_slice %arg10[%add3A_25, %dma_wait3A] : memref<10240x128xf32, #tpu.memory_space<vmem_shared>> -> memref<128x128xf32, #tpu.memory_space<vmem_shared>>
      %dma_wait3A_41 = arith.constant 0 : i32
      %dma_wait3A_42 = tpu.memref_slice %arg10[%add3A_25, %dma_wait3A_41] : memref<10240x128xf32, #tpu.memory_space<vmem_shared>> -> memref<128x128xf32, #tpu.memory_space<vmem_shared>>
      tpu.wait_dma2 semaphore(%run_scoped3A : memref<!tpu.dma_semaphore, #tpu.memory_space<semaphore_mem>>) src(%arg9 : memref<128x128xf32, #tpu.memory_space<vmem>>) dst(%dma_wait3A_42 : memref<128x128xf32, #tpu.memory_space<vmem_shared>>)
      tpu.yield
    }) : () -> ()
    %add3A_26 = arith.constant 512 : i32
    %add3A_27 = arith.addi %mul3A_17, %add3A_26 : i32
    "tpu.region"() ({
      %run_scoped3A = tpu.sem_alloc : memref<!tpu.dma_semaphore, #tpu.memory_space<semaphore_mem>>
      %dma_start3A_36 = arith.constant 0 : i32
      %dma_start3A_37 = tpu.memref_slice %arg10[%add3A_27, %dma_start3A_36] : memref<10240x128xf32, #tpu.memory_space<vmem_shared>> -> memref<128x128xf32, #tpu.memory_space<vmem_shared>>
      %dma_start3A_38 = arith.constant 0 : i32
      %dma_start3A_39 = tpu.memref_slice %arg10[%add3A_27, %dma_start3A_38] : memref<10240x128xf32, #tpu.memory_space<vmem_shared>> -> memref<128x128xf32, #tpu.memory_space<vmem_shared>>
      tpu.enqueue_dma source(%arg9 : memref<128x128xf32, #tpu.memory_space<vmem>>) target(%dma_start3A_39 : memref<128x128xf32, #tpu.memory_space<vmem_shared>>) target_semaphore(%run_scoped3A : memref<!tpu.dma_semaphore, #tpu.memory_space<semaphore_mem>>)
      %dma_wait3A = arith.constant 0 : i32
      %dma_wait3A_40 = tpu.memref_slice %arg10[%add3A_27, %dma_wait3A] : memref<10240x128xf32, #tpu.memory_space<vmem_shared>> -> memref<128x128xf32, #tpu.memory_space<vmem_shared>>
      %dma_wait3A_41 = arith.constant 0 : i32
      %dma_wait3A_42 = tpu.memref_slice %arg10[%add3A_27, %dma_wait3A_41] : memref<10240x128xf32, #tpu.memory_space<vmem_shared>> -> memref<128x128xf32, #tpu.memory_space<vmem_shared>>
      tpu.wait_dma2 semaphore(%run_scoped3A : memref<!tpu.dma_semaphore, #tpu.memory_space<semaphore_mem>>) src(%arg9 : memref<128x128xf32, #tpu.memory_space<vmem>>) dst(%dma_wait3A_42 : memref<128x128xf32, #tpu.memory_space<vmem_shared>>)
      tpu.yield
    }) : () -> ()
    %barrier3A = arith.constant 0 : index
    tpu.barrier barrier_id(%barrier3A)
    %scan3A_28 = arith.constant 0 : i32
    %scan3A_29 = arith.constant 0 : i32
    %scan3A_30 = arith.constant 20 : i32
    %scan3A_31 = arith.addi %scan3A_29, %scan3A_30 : i32
    %scan3A_32 = arith.constant 1 : i32
    %scan3A_33 = scf.for %scan3A_36 = %scan3A_29 to %scan3A_31 step %scan3A_32 iter_args(%scan3A_37 = %scan3A_28) -> (i32)  : i32 {
      %mul3A_38 = arith.constant 2 : i32
      %mul3A_39 = arith.muli %mul3A_38, %scan3A_36 : i32
      %mul3A_40 = arith.constant 2 : i32
      %mul3A_41 = arith.muli %mul3A_40, %scan3A_36 : i32
      %add3A_42 = arith.constant 1 : i32
      %add3A_43 = arith.addi %mul3A_41, %add3A_42 : i32
      %dma_wait3A = arith.constant 0 : i32
      %dma_wait3A_44 = tpu.memref_slice %arg6[%mul3A_39, %dma_wait3A] : memref<40x128xi32, #tpu.memory_space<vmem>> -> memref<1x128xi32, #tpu.memory_space<vmem>>
      %dma_wait3A_45 = tpu.memref_squeeze %dma_wait3A_44 : memref<1x128xi32, #tpu.memory_space<vmem>> -> memref<128xi32, #tpu.memory_space<vmem>>
      %dma_wait3A_46 = arith.constant 0 : i32
      %dma_wait3A_47 = arith.constant 0 : i32
      %dma_wait3A_48 = tpu.memref_slice %arg2[%dma_wait3A_46, %dma_wait3A_47] : memref<10240x128xf32, #tpu.memory_space<hbm>> -> memref<10240x128xf32, #tpu.memory_space<hbm>>
      tpu.wait_indirect_dma semaphore(%arg11 : memref<!tpu.dma_semaphore, #tpu.memory_space<semaphore_mem>>) src(%dma_wait3A_48 : memref<10240x128xf32, #tpu.memory_space<hbm>>) dst(%arg8 : memref<128x128xf32, #tpu.memory_space<vmem>>)
      %dma_start3A_49 = arith.constant 0 : i32
      %dma_start3A_50 = tpu.memref_slice %arg7[%mul3A_39, %dma_start3A_49] : memref<40x128xi32, #tpu.memory_space<vmem>> -> memref<1x128xi32, #tpu.memory_space<vmem>>
      %dma_start3A_51 = tpu.memref_squeeze %dma_start3A_50 : memref<1x128xi32, #tpu.memory_space<vmem>> -> memref<128xi32, #tpu.memory_space<vmem>>
      %dma_start3A_52 = arith.constant 0 : i32
      %dma_start3A_53 = arith.constant 0 : i32
      %dma_start3A_54 = tpu.memref_slice %arg10[%dma_start3A_52, %dma_start3A_53] : memref<10240x128xf32, #tpu.memory_space<vmem_shared>> -> memref<10240x128xf32, #tpu.memory_space<vmem_shared>>
      tpu.enqueue_indirect_dma source(%arg8 : memref<128x128xf32, #tpu.memory_space<vmem>>) target(%dma_start3A_54 : memref<10240x128xf32, #tpu.memory_space<vmem_shared>>) offsets(%dma_start3A_51 : memref<128xi32, #tpu.memory_space<vmem>>) semaphore(%arg13 : memref<!tpu.dma_semaphore, #tpu.memory_space<semaphore_mem>>) {add = true}
      %dma_start3A_55 = arith.constant 0 : i32
      %dma_start3A_56 = tpu.memref_slice %arg6[%add3A_43, %dma_start3A_55] : memref<40x128xi32, #tpu.memory_space<vmem>> -> memref<1x128xi32, #tpu.memory_space<vmem>>
      %dma_start3A_57 = tpu.memref_squeeze %dma_start3A_56 : memref<1x128xi32, #tpu.memory_space<vmem>> -> memref<128xi32, #tpu.memory_space<vmem>>
      %dma_start3A_58 = arith.constant 0 : i32
      %dma_start3A_59 = arith.constant 0 : i32
      %dma_start3A_60 = tpu.memref_slice %arg2[%dma_start3A_58, %dma_start3A_59] : memref<10240x128xf32, #tpu.memory_space<hbm>> -> memref<10240x128xf32, #tpu.memory_space<hbm>>
      tpu.enqueue_indirect_dma source(%dma_start3A_60 : memref<10240x128xf32, #tpu.memory_space<hbm>>) target(%arg9 : memref<128x128xf32, #tpu.memory_space<vmem>>) offsets(%dma_start3A_57 : memref<128xi32, #tpu.memory_space<vmem>>) semaphore(%arg12 : memref<!tpu.dma_semaphore, #tpu.memory_space<semaphore_mem>>)
      %dma_wait3A_61 = arith.constant 0 : i32
      %dma_wait3A_62 = tpu.memref_slice %arg6[%add3A_43, %dma_wait3A_61] : memref<40x128xi32, #tpu.memory_space<vmem>> -> memref<1x128xi32, #tpu.memory_space<vmem>>
      %dma_wait3A_63 = tpu.memref_squeeze %dma_wait3A_62 : memref<1x128xi32, #tpu.memory_space<vmem>> -> memref<128xi32, #tpu.memory_space<vmem>>
      %dma_wait3A_64 = arith.constant 0 : i32
      %dma_wait3A_65 = arith.constant 0 : i32
      %dma_wait3A_66 = tpu.memref_slice %arg2[%dma_wait3A_64, %dma_wait3A_65] : memref<10240x128xf32, #tpu.memory_space<hbm>> -> memref<10240x128xf32, #tpu.memory_space<hbm>>
      tpu.wait_indirect_dma semaphore(%arg12 : memref<!tpu.dma_semaphore, #tpu.memory_space<semaphore_mem>>) src(%dma_wait3A_66 : memref<10240x128xf32, #tpu.memory_space<hbm>>) dst(%arg9 : memref<128x128xf32, #tpu.memory_space<vmem>>)
      %dma_start3A_67 = arith.constant 0 : i32
      %dma_start3A_68 = tpu.memref_slice %arg7[%add3A_43, %dma_start3A_67] : memref<40x128xi32, #tpu.memory_space<vmem>> -> memref<1x128xi32, #tpu.memory_space<vmem>>
      %dma_start3A_69 = tpu.memref_squeeze %dma_start3A_68 : memref<1x128xi32, #tpu.memory_space<vmem>> -> memref<128xi32, #tpu.memory_space<vmem>>
      %dma_start3A_70 = arith.constant 0 : i32
      %dma_start3A_71 = arith.constant 0 : i32
      %dma_start3A_72 = tpu.memref_slice %arg10[%dma_start3A_70, %dma_start3A_71] : memref<10240x128xf32, #tpu.memory_space<vmem_shared>> -> memref<10240x128xf32, #tpu.memory_space<vmem_shared>>
      tpu.enqueue_indirect_dma source(%arg9 : memref<128x128xf32, #tpu.memory_space<vmem>>) target(%dma_start3A_72 : memref<10240x128xf32, #tpu.memory_space<vmem_shared>>) offsets(%dma_start3A_69 : memref<128xi32, #tpu.memory_space<vmem>>) semaphore(%arg14 : memref<!tpu.dma_semaphore, #tpu.memory_space<semaphore_mem>>) {add = true}
      %dma_wait3A_73 = arith.constant 0 : i32
      %dma_wait3A_74 = tpu.memref_slice %arg7[%mul3A_39, %dma_wait3A_73] : memref<40x128xi32, #tpu.memory_space<vmem>> -> memref<1x128xi32, #tpu.memory_space<vmem>>
      %dma_wait3A_75 = tpu.memref_squeeze %dma_wait3A_74 : memref<1x128xi32, #tpu.memory_space<vmem>> -> memref<128xi32, #tpu.memory_space<vmem>>
      %dma_wait3A_76 = arith.constant 0 : i32
      %dma_wait3A_77 = arith.constant 0 : i32
      %dma_wait3A_78 = tpu.memref_slice %arg10[%dma_wait3A_76, %dma_wait3A_77] : memref<10240x128xf32, #tpu.memory_space<vmem_shared>> -> memref<10240x128xf32, #tpu.memory_space<vmem_shared>>
      tpu.wait_indirect_dma semaphore(%arg13 : memref<!tpu.dma_semaphore, #tpu.memory_space<semaphore_mem>>) src(%arg8 : memref<128x128xf32, #tpu.memory_space<vmem>>) dst(%dma_wait3A_78 : memref<10240x128xf32, #tpu.memory_space<vmem_shared>>)
      %add3A_79 = arith.constant 1 : i32
      %add3A_80 = arith.addi %scan3A_36, %add3A_79 : i32
      %lt3A = arith.constant 20 : i32
      %lt3A_81 = arith.cmpi slt, %add3A_80, %lt3A : i32
      %convert_element_type3A = arith.extui %lt3A_81 : i1 to i32
      %cond3A = arith.constant 0 : i32
      %cond3A_82 = arith.cmpi ne, %convert_element_type3A, %cond3A : i32
      scf.if %cond3A_82 {
        %add3A_90 = arith.constant 2 : i32
        %add3A_91 = arith.addi %mul3A_39, %add3A_90 : i32
        %dma_start3A_92 = arith.constant 0 : i32
        %dma_start3A_93 = tpu.memref_slice %arg6[%add3A_91, %dma_start3A_92] : memref<40x128xi32, #tpu.memory_space<vmem>> -> memref<1x128xi32, #tpu.memory_space<vmem>>
        %dma_start3A_94 = tpu.memref_squeeze %dma_start3A_93 : memref<1x128xi32, #tpu.memory_space<vmem>> -> memref<128xi32, #tpu.memory_space<vmem>>
        %dma_start3A_95 = arith.constant 0 : i32
        %dma_start3A_96 = arith.constant 0 : i32
        %dma_start3A_97 = tpu.memref_slice %arg2[%dma_start3A_95, %dma_start3A_96] : memref<10240x128xf32, #tpu.memory_space<hbm>> -> memref<10240x128xf32, #tpu.memory_space<hbm>>
        tpu.enqueue_indirect_dma source(%dma_start3A_97 : memref<10240x128xf32, #tpu.memory_space<hbm>>) target(%arg8 : memref<128x128xf32, #tpu.memory_space<vmem>>) offsets(%dma_start3A_94 : memref<128xi32, #tpu.memory_space<vmem>>) semaphore(%arg11 : memref<!tpu.dma_semaphore, #tpu.memory_space<semaphore_mem>>)
      } else {
      }
      %dma_wait3A_83 = arith.constant 0 : i32
      %dma_wait3A_84 = tpu.memref_slice %arg7[%add3A_43, %dma_wait3A_83] : memref<40x128xi32, #tpu.memory_space<vmem>> -> memref<1x128xi32, #tpu.memory_space<vmem>>
      %dma_wait3A_85 = tpu.memref_squeeze %dma_wait3A_84 : memref<1x128xi32, #tpu.memory_space<vmem>> -> memref<128xi32, #tpu.memory_space<vmem>>
      %dma_wait3A_86 = arith.constant 0 : i32
      %dma_wait3A_87 = arith.constant 0 : i32
      %dma_wait3A_88 = tpu.memref_slice %arg10[%dma_wait3A_86, %dma_wait3A_87] : memref<10240x128xf32, #tpu.memory_space<vmem_shared>> -> memref<10240x128xf32, #tpu.memory_space<vmem_shared>>
      tpu.wait_indirect_dma semaphore(%arg14 : memref<!tpu.dma_semaphore, #tpu.memory_space<semaphore_mem>>) src(%arg9 : memref<128x128xf32, #tpu.memory_space<vmem>>) dst(%dma_wait3A_88 : memref<10240x128xf32, #tpu.memory_space<vmem_shared>>)
      %scan3A_89 = arith.constant 0 : i32
      scf.yield %scan3A_89 : i32
    }
    %scan3A_34 = arith.constant 20 : i32
    %barrier3A_35 = arith.constant 0 : index
    tpu.barrier barrier_id(%barrier3A_35)
    "tpu.region"() ({
      %run_scoped3A = tpu.sem_alloc : memref<!tpu.dma_semaphore, #tpu.memory_space<semaphore_mem>>
      %dma_start3A_36 = arith.constant 0 : i32
      %dma_start3A_37 = tpu.memref_slice %arg5[%arg0, %mul3A_17, %dma_start3A_36] : memref<2x10240x128xf32, #tpu.memory_space<hbm>> -> memref<1x640x128xf32, #tpu.memory_space<hbm>>
      %dma_start3A_38 = tpu.memref_squeeze %dma_start3A_37 : memref<1x640x128xf32, #tpu.memory_space<hbm>> -> memref<640x128xf32, #tpu.memory_space<hbm>>
      %dma_start3A_39 = arith.constant 0 : i32
      %dma_start3A_40 = tpu.memref_slice %arg10[%mul3A_17, %dma_start3A_39] : memref<10240x128xf32, #tpu.memory_space<vmem_shared>> -> memref<640x128xf32, #tpu.memory_space<vmem_shared>>
      tpu.enqueue_dma source(%dma_start3A_40 : memref<640x128xf32, #tpu.memory_space<vmem_shared>>) target(%dma_start3A_38 : memref<640x128xf32, #tpu.memory_space<hbm>>) target_semaphore(%run_scoped3A : memref<!tpu.dma_semaphore, #tpu.memory_space<semaphore_mem>>)
      %dma_wait3A = arith.constant 0 : i32
      %dma_wait3A_41 = tpu.memref_slice %arg5[%arg0, %mul3A_17, %dma_wait3A] : memref<2x10240x128xf32, #tpu.memory_space<hbm>> -> memref<1x640x128xf32, #tpu.memory_space<hbm>>
      %dma_wait3A_42 = tpu.memref_squeeze %dma_wait3A_41 : memref<1x640x128xf32, #tpu.memory_space<hbm>> -> memref<640x128xf32, #tpu.memory_space<hbm>>
      %dma_wait3A_43 = arith.constant 0 : i32
      %dma_wait3A_44 = tpu.memref_slice %arg10[%mul3A_17, %dma_wait3A_43] : memref<10240x128xf32, #tpu.memory_space<vmem_shared>> -> memref<640x128xf32, #tpu.memory_space<vmem_shared>>
      tpu.wait_dma2 semaphore(%run_scoped3A : memref<!tpu.dma_semaphore, #tpu.memory_space<semaphore_mem>>) src(%dma_wait3A_44 : memref<640x128xf32, #tpu.memory_space<vmem_shared>>) dst(%dma_wait3A_42 : memref<640x128xf32, #tpu.memory_space<hbm>>)
      tpu.yield
    }) : () -> ()
    return
  }
}

module attributes {stable_mosaic.version = 14 : i64} {
  func.func @_mm1_body(%arg0: i32, %arg1: memref<10x32x128xf32, #tpu.memory_space<vmem>>, %arg2: memref<10x32x128xf32, #tpu.memory_space<vmem>>, %arg3: memref<10x128x256xf32, #tpu.memory_space<vmem>>, %arg4: memref<256x128xf32, #tpu.memory_space<vmem>>, %arg5: memref<1280x128xf32, #tpu.memory_space<vmem>>, %arg6: memref<1x10x128xf32, #tpu.memory_space<vmem>>, %arg7: memref<1x10x128xf32, #tpu.memory_space<vmem>>) attributes {dimension_semantics = [#tpu.dimension_semantics<arbitrary>], iteration_bounds = array<i64: 8>, scalar_prefetch = 0 : i64, scratch_operands = 0 : i64, tpu.core_type = #tpu.core_type<tc>, window_params = [{transform_indices = @transform_0, window_bounds = array<i64: 10, 32, 128>}, {transform_indices = @transform_1, window_bounds = array<i64: 10, 32, 128>}, {transform_indices = @transform_2, window_bounds = array<i64: 10, 128, 256>}, {pipeline_mode = #tpu.pipeline_mode<synchronous>, transform_indices = @transform_3, window_bounds = array<i64: 256, 128>}, {transform_indices = @transform_4, window_bounds = array<i64: 1280, 128>}, {transform_indices = @transform_5, window_bounds = array<i64: 1, 10, 128>}, {transform_indices = @transform_6, window_bounds = array<i64: 1, 10, 128>}]} {
    %get3A = arith.constant 0 : index
    %get3A_0 = arith.constant 0 : index
    %get3A_1 = arith.constant 0 : index
    %get3A_2 = vector.load %arg1[%get3A, %get3A_0, %get3A_1] : memref<10x32x128xf32, #tpu.memory_space<vmem>>, vector<10x32x128xf32>
    %reduce_sum3A = arith.constant dense<0.000000e+00> : vector<10x128xf32>
    %reduce_sum3A_3 = vector.multi_reduction <add>, %get3A_2, %reduce_sum3A [1] : vector<10x32x128xf32> to vector<10x128xf32>
    %get3A_4 = arith.constant 0 : index
    %get3A_5 = arith.constant 0 : index
    %get3A_6 = arith.constant 0 : index
    %get3A_7 = vector.load %arg2[%get3A_4, %get3A_5, %get3A_6] : memref<10x32x128xf32, #tpu.memory_space<vmem>>, vector<10x32x128xf32>
    %reduce_sum3A_8 = arith.constant dense<0.000000e+00> : vector<10x128xf32>
    %reduce_sum3A_9 = vector.multi_reduction <add>, %get3A_7, %reduce_sum3A_8 [1] : vector<10x32x128xf32> to vector<10x128xf32>
    %max3A = arith.constant 1.000000e+00 : f32
    %max3A_10 = vector.broadcast %max3A : f32 to vector<10x128xf32>
    %max3A_11 = arith.maximumf %reduce_sum3A_3, %max3A_10 : vector<10x128xf32>
    %rsqrt3A = math.rsqrt %max3A_11 : vector<10x128xf32>
    %max3A_12 = arith.constant 1.000000e+00 : f32
    %max3A_13 = vector.broadcast %max3A_12 : f32 to vector<10x128xf32>
    %max3A_14 = arith.maximumf %reduce_sum3A_9, %max3A_13 : vector<10x128xf32>
    %rsqrt3A_15 = math.rsqrt %max3A_14 : vector<10x128xf32>
    %broadcast_in_dim3A = vector.shape_cast %rsqrt3A : vector<10x128xf32> to vector<1x10x128xf32>
    %swap3A = arith.constant 0 : index
    %swap3A_16 = arith.constant 0 : index
    %swap3A_17 = arith.constant 0 : index
    %swap3A_18 = vector.load %arg6[%swap3A, %swap3A_16, %swap3A_17] : memref<1x10x128xf32, #tpu.memory_space<vmem>>, vector<1x10x128xf32>
    tpu.vector_store %arg6[%swap3A, %swap3A_16, %swap3A_17], %broadcast_in_dim3A {strides = array<i32>} : memref<1x10x128xf32, #tpu.memory_space<vmem>>, vector<1x10x128xf32>,
    %broadcast_in_dim3A_19 = vector.shape_cast %rsqrt3A_15 : vector<10x128xf32> to vector<1x10x128xf32>
    %swap3A_20 = arith.constant 0 : index
    %swap3A_21 = arith.constant 0 : index
    %swap3A_22 = arith.constant 0 : index
    %swap3A_23 = vector.load %arg7[%swap3A_20, %swap3A_21, %swap3A_22] : memref<1x10x128xf32, #tpu.memory_space<vmem>>, vector<1x10x128xf32>
    tpu.vector_store %arg7[%swap3A_20, %swap3A_21, %swap3A_22], %broadcast_in_dim3A_19 {strides = array<i32>} : memref<1x10x128xf32, #tpu.memory_space<vmem>>, vector<1x10x128xf32>,
    %get3A_24 = arith.constant 0 : index
    %get3A_25 = arith.constant 0 : index
    %get3A_26 = arith.constant 0 : index
    %get3A_27 = vector.load %arg3[%get3A_24, %get3A_25, %get3A_26] : memref<10x128x256xf32, #tpu.memory_space<vmem>>, vector<10x128x256xf32>
    %broadcast_in_dim3A_28 = vector.shape_cast %rsqrt3A : vector<10x128xf32> to vector<10x128x1xf32>
    %mul3A = vector.broadcast %broadcast_in_dim3A_28 : vector<10x128x1xf32> to vector<10x128x256xf32>
    %mul3A_29 = arith.mulf %get3A_27, %mul3A : vector<10x128x256xf32>
    %reshape3A = vector.shape_cast %mul3A_29 : vector<10x128x256xf32> to vector<1280x256xf32>
    %get3A_30 = arith.constant 0 : index
    %get3A_31 = arith.constant 0 : index
    %get3A_32 = vector.load %arg4[%get3A_30, %get3A_31] : memref<256x128xf32, #tpu.memory_space<vmem>>, vector<256x128xf32>
    %dot_general3A = arith.constant dense<0.000000e+00> : vector<1280x128xf32>
    %dot_general3A_33 = tpu.matmul %reshape3A, %get3A_32, %dot_general3A {dimension_numbers = #tpu.dot_dimension_numbers<[1], [0], [0], [1], [0, 0, 1, 1], [], []>, transpose_lhs_hint = false} : vector<1280x256xf32>, vector<256x128xf32>, vector<1280x128xf32> -> vector<1280x128xf32>
    %swap3A_34 = arith.constant 0 : index
    %swap3A_35 = arith.constant 0 : index
    %swap3A_36 = vector.load %arg5[%swap3A_34, %swap3A_35] : memref<1280x128xf32, #tpu.memory_space<vmem>>, vector<1280x128xf32>
    tpu.vector_store %arg5[%swap3A_34, %swap3A_35], %dot_general3A_33 {strides = array<i32>} : memref<1280x128xf32, #tpu.memory_space<vmem>>, vector<1280x128xf32>,
    return
  }
  func.func @transform_0(%arg0: i32) -> (i32, i32, i32) {
    %c0_i32 = arith.constant 0 : i32
    %c0_i32_0 = arith.constant 0 : i32
    %c0_i32_1 = arith.constant 0 : i32
    return %arg0, %c0_i32, %c0_i32_0 : i32, i32, i32
  }
  func.func @transform_1(%arg0: i32) -> (i32, i32, i32) {
    %c0_i32 = arith.constant 0 : i32
    %c0_i32_0 = arith.constant 0 : i32
    %c0_i32_1 = arith.constant 0 : i32
    return %arg0, %c0_i32, %c0_i32_0 : i32, i32, i32
  }
  func.func @transform_2(%arg0: i32) -> (i32, i32, i32) {
    %c0_i32 = arith.constant 0 : i32
    %c0_i32_0 = arith.constant 0 : i32
    %c0_i32_1 = arith.constant 0 : i32
    return %arg0, %c0_i32, %c0_i32_0 : i32, i32, i32
  }
  func.func @transform_3(%arg0: i32) -> (i32, i32) {
    %c0_i32 = arith.constant 0 : i32
    %c0_i32_0 = arith.constant 0 : i32
    %c0_i32_1 = arith.constant 0 : i32
    return %c0_i32, %c0_i32_0 : i32, i32
  }
  func.func @transform_4(%arg0: i32) -> (i32, i32) {
    %c0_i32 = arith.constant 0 : i32
    %c0_i32_0 = arith.constant 0 : i32
    return %arg0, %c0_i32 : i32, i32
  }
  func.func @transform_5(%arg0: i32) -> (i32, i32, i32) {
    %c0_i32 = arith.constant 0 : i32
    %c0_i32_0 = arith.constant 0 : i32
    %c0_i32_1 = arith.constant 0 : i32
    return %arg0, %c0_i32, %c0_i32_0 : i32, i32, i32
  }
  func.func @transform_6(%arg0: i32) -> (i32, i32, i32) {
    %c0_i32 = arith.constant 0 : i32
    %c0_i32_0 = arith.constant 0 : i32
    %c0_i32_1 = arith.constant 0 : i32
    return %arg0, %c0_i32, %c0_i32_0 : i32, i32, i32
  }
}

module attributes {stable_mosaic.version = 14 : i64} {
  func.func @_mm2_body(%arg0: i32, %arg1: memref<1280x128xf32, #tpu.memory_space<vmem>>, %arg2: memref<1280x128xf32, #tpu.memory_space<vmem>>, %arg3: memref<1x10x128xf32, #tpu.memory_space<vmem>>, %arg4: memref<1x10x128xf32, #tpu.memory_space<vmem>>, %arg5: memref<1x128xf32, #tpu.memory_space<vmem>>, %arg6: memref<128x128xf32, #tpu.memory_space<vmem>>, %arg7: memref<1280x128xf32, #tpu.memory_space<vmem>>) attributes {dimension_semantics = [#tpu.dimension_semantics<arbitrary>], iteration_bounds = array<i64: 8>, scalar_prefetch = 0 : i64, scratch_operands = 0 : i64, tpu.core_type = #tpu.core_type<tc>, window_params = [{transform_indices = @transform_0, window_bounds = array<i64: 1280, 128>}, {transform_indices = @transform_1, window_bounds = array<i64: 1280, 128>}, {transform_indices = @transform_2, window_bounds = array<i64: 1, 10, 128>}, {transform_indices = @transform_3, window_bounds = array<i64: 1, 10, 128>}, {pipeline_mode = #tpu.pipeline_mode<synchronous>, transform_indices = @transform_4, window_bounds = array<i64: 1, 128>}, {pipeline_mode = #tpu.pipeline_mode<synchronous>, transform_indices = @transform_5, window_bounds = array<i64: 128, 128>}, {transform_indices = @transform_6, window_bounds = array<i64: 1280, 128>}]} {
    %get3A = arith.constant 0 : index
    %get3A_0 = arith.constant 0 : index
    %get3A_1 = vector.load %arg1[%get3A, %get3A_0] : memref<1280x128xf32, #tpu.memory_space<vmem>>, vector<1280x128xf32>
    %get3A_2 = arith.constant 0 : index
    %get3A_3 = arith.constant 0 : index
    %get3A_4 = vector.load %arg2[%get3A_2, %get3A_3] : memref<1280x128xf32, #tpu.memory_space<vmem>>, vector<1280x128xf32>
    %add3A = arith.addf %get3A_1, %get3A_4 : vector<1280x128xf32>
    %reshape3A = vector.shape_cast %add3A : vector<1280x128xf32> to vector<10x128x128xf32>
    %get3A_5 = arith.constant 0 : index
    %get3A_6 = arith.constant 0 : index
    %get3A_7 = arith.constant 0 : index
    %get3A_8 = vector.load %arg3[%get3A_5, %get3A_6, %get3A_7] : memref<1x10x128xf32, #tpu.memory_space<vmem>>, vector<1x10x128xf32>
    %get3A_9 = vector.shape_cast %get3A_8 : vector<1x10x128xf32> to vector<10x128xf32>
    %get3A_10 = arith.constant 0 : index
    %get3A_11 = arith.constant 0 : index
    %get3A_12 = arith.constant 0 : index
    %get3A_13 = vector.load %arg4[%get3A_10, %get3A_11, %get3A_12] : memref<1x10x128xf32, #tpu.memory_space<vmem>>, vector<1x10x128xf32>
    %get3A_14 = vector.shape_cast %get3A_13 : vector<1x10x128xf32> to vector<10x128xf32>
    %get3A_15 = arith.constant 0 : index
    %get3A_16 = arith.constant 0 : index
    %get3A_17 = vector.load %arg5[%get3A_15, %get3A_16] : memref<1x128xf32, #tpu.memory_space<vmem>>, vector<1x128xf32>
    %broadcast_in_dim3A = vector.shape_cast %get3A_9 : vector<10x128xf32> to vector<10x128x1xf32>
    %mul3A = vector.broadcast %broadcast_in_dim3A : vector<10x128x1xf32> to vector<10x128x128xf32>
    %mul3A_18 = arith.mulf %reshape3A, %mul3A : vector<10x128x128xf32>
    %squeeze3A = vector.shape_cast %get3A_17 : vector<1x128xf32> to vector<128xf32>
    %broadcast_in_dim3A_19 = vector.shape_cast %squeeze3A : vector<128xf32> to vector<1x1x128xf32>
    %add3A_20 = vector.broadcast %broadcast_in_dim3A_19 : vector<1x1x128xf32> to vector<10x128x128xf32>
    %add3A_21 = arith.addf %mul3A_18, %add3A_20 : vector<10x128x128xf32>
    %max3A = arith.constant 0.000000e+00 : f32
    %max3A_22 = vector.broadcast %max3A : f32 to vector<10x128x128xf32>
    %max3A_23 = arith.maximumf %add3A_21, %max3A_22 : vector<10x128x128xf32>
    %broadcast_in_dim3A_24 = vector.shape_cast %get3A_14 : vector<10x128xf32> to vector<10x128x1xf32>
    %mul3A_25 = vector.broadcast %broadcast_in_dim3A_24 : vector<10x128x1xf32> to vector<10x128x128xf32>
    %mul3A_26 = arith.mulf %max3A_23, %mul3A_25 : vector<10x128x128xf32>
    %reshape3A_27 = vector.shape_cast %mul3A_26 : vector<10x128x128xf32> to vector<1280x128xf32>
    %get3A_28 = arith.constant 0 : index
    %get3A_29 = arith.constant 0 : index
    %get3A_30 = vector.load %arg6[%get3A_28, %get3A_29] : memref<128x128xf32, #tpu.memory_space<vmem>>, vector<128x128xf32>
    %dot_general3A = arith.constant dense<0.000000e+00> : vector<1280x128xf32>
    %dot_general3A_31 = tpu.matmul %reshape3A_27, %get3A_30, %dot_general3A {dimension_numbers = #tpu.dot_dimension_numbers<[1], [0], [0], [1], [0, 0, 1, 1], [], []>, transpose_lhs_hint = false} : vector<1280x128xf32>, vector<128x128xf32>, vector<1280x128xf32> -> vector<1280x128xf32>
    %swap3A = arith.constant 0 : index
    %swap3A_32 = arith.constant 0 : index
    %swap3A_33 = vector.load %arg7[%swap3A, %swap3A_32] : memref<1280x128xf32, #tpu.memory_space<vmem>>, vector<1280x128xf32>
    tpu.vector_store %arg7[%swap3A, %swap3A_32], %dot_general3A_31 {strides = array<i32>} : memref<1280x128xf32, #tpu.memory_space<vmem>>, vector<1280x128xf32>,
    return
  }
  func.func @transform_0(%arg0: i32) -> (i32, i32) {
    %c0_i32 = arith.constant 0 : i32
    %c0_i32_0 = arith.constant 0 : i32
    return %arg0, %c0_i32 : i32, i32
  }
  func.func @transform_1(%arg0: i32) -> (i32, i32) {
    %c0_i32 = arith.constant 0 : i32
    %c0_i32_0 = arith.constant 0 : i32
    return %arg0, %c0_i32 : i32, i32
  }
  func.func @transform_2(%arg0: i32) -> (i32, i32, i32) {
    %c0_i32 = arith.constant 0 : i32
    %c0_i32_0 = arith.constant 0 : i32
    %c0_i32_1 = arith.constant 0 : i32
    return %arg0, %c0_i32, %c0_i32_0 : i32, i32, i32
  }
  func.func @transform_3(%arg0: i32) -> (i32, i32, i32) {
    %c0_i32 = arith.constant 0 : i32
    %c0_i32_0 = arith.constant 0 : i32
    %c0_i32_1 = arith.constant 0 : i32
    return %arg0, %c0_i32, %c0_i32_0 : i32, i32, i32
  }
  func.func @transform_4(%arg0: i32) -> (i32, i32) {
    %c0_i32 = arith.constant 0 : i32
    %c0_i32_0 = arith.constant 0 : i32
    %c0_i32_1 = arith.constant 0 : i32
    return %c0_i32, %c0_i32_0 : i32, i32
  }
  func.func @transform_5(%arg0: i32) -> (i32, i32) {
    %c0_i32 = arith.constant 0 : i32
    %c0_i32_0 = arith.constant 0 : i32
    %c0_i32_1 = arith.constant 0 : i32
    return %c0_i32, %c0_i32_0 : i32, i32
  }
  func.func @transform_6(%arg0: i32) -> (i32, i32) {
    %c0_i32 = arith.constant 0 : i32
    %c0_i32_0 = arith.constant 0 : i32
    return %arg0, %c0_i32 : i32, i32
  }
}

module attributes {stable_mosaic.version = 14 : i64} {
  func.func @_out_body(%arg0: i32, %arg1: memref<1280x128xf32, #tpu.memory_space<vmem>>, %arg2: memref<1280x128xf32, #tpu.memory_space<vmem>>, %arg3: memref<1x10x128xf32, #tpu.memory_space<vmem>>, %arg4: memref<1x128xf32, #tpu.memory_space<vmem>>, %arg5: memref<1280x128xf32, #tpu.memory_space<vmem>>) attributes {dimension_semantics = [#tpu.dimension_semantics<arbitrary>], iteration_bounds = array<i64: 8>, scalar_prefetch = 0 : i64, scratch_operands = 0 : i64, tpu.core_type = #tpu.core_type<tc>, window_params = [{transform_indices = @transform_0, window_bounds = array<i64: 1280, 128>}, {transform_indices = @transform_1, window_bounds = array<i64: 1280, 128>}, {transform_indices = @transform_2, window_bounds = array<i64: 1, 10, 128>}, {pipeline_mode = #tpu.pipeline_mode<synchronous>, transform_indices = @transform_3, window_bounds = array<i64: 1, 128>}, {transform_indices = @transform_4, window_bounds = array<i64: 1280, 128>}]} {
    %get3A = arith.constant 0 : index
    %get3A_0 = arith.constant 0 : index
    %get3A_1 = vector.load %arg1[%get3A, %get3A_0] : memref<1280x128xf32, #tpu.memory_space<vmem>>, vector<1280x128xf32>
    %get3A_2 = arith.constant 0 : index
    %get3A_3 = arith.constant 0 : index
    %get3A_4 = vector.load %arg2[%get3A_2, %get3A_3] : memref<1280x128xf32, #tpu.memory_space<vmem>>, vector<1280x128xf32>
    %add3A = arith.addf %get3A_1, %get3A_4 : vector<1280x128xf32>
    %reshape3A = vector.shape_cast %add3A : vector<1280x128xf32> to vector<10x128x128xf32>
    %get3A_5 = arith.constant 0 : index
    %get3A_6 = arith.constant 0 : index
    %get3A_7 = arith.constant 0 : index
    %get3A_8 = vector.load %arg3[%get3A_5, %get3A_6, %get3A_7] : memref<1x10x128xf32, #tpu.memory_space<vmem>>, vector<1x10x128xf32>
    %get3A_9 = vector.shape_cast %get3A_8 : vector<1x10x128xf32> to vector<10x128xf32>
    %get3A_10 = arith.constant 0 : index
    %get3A_11 = arith.constant 0 : index
    %get3A_12 = vector.load %arg4[%get3A_10, %get3A_11] : memref<1x128xf32, #tpu.memory_space<vmem>>, vector<1x128xf32>
    %broadcast_in_dim3A = vector.shape_cast %get3A_9 : vector<10x128xf32> to vector<10x128x1xf32>
    %mul3A = vector.broadcast %broadcast_in_dim3A : vector<10x128x1xf32> to vector<10x128x128xf32>
    %mul3A_13 = arith.mulf %reshape3A, %mul3A : vector<10x128x128xf32>
    %squeeze3A = vector.shape_cast %get3A_12 : vector<1x128xf32> to vector<128xf32>
    %broadcast_in_dim3A_14 = vector.shape_cast %squeeze3A : vector<128xf32> to vector<1x1x128xf32>
    %add3A_15 = vector.broadcast %broadcast_in_dim3A_14 : vector<1x1x128xf32> to vector<10x128x128xf32>
    %add3A_16 = arith.addf %mul3A_13, %add3A_15 : vector<10x128x128xf32>
    %max3A = arith.constant 0.000000e+00 : f32
    %max3A_17 = vector.broadcast %max3A : f32 to vector<10x128x128xf32>
    %max3A_18 = arith.maximumf %add3A_16, %max3A_17 : vector<10x128x128xf32>
    %reshape3A_19 = vector.shape_cast %max3A_18 : vector<10x128x128xf32> to vector<1280x128xf32>
    %swap3A = arith.constant 0 : index
    %swap3A_20 = arith.constant 0 : index
    %swap3A_21 = vector.load %arg5[%swap3A, %swap3A_20] : memref<1280x128xf32, #tpu.memory_space<vmem>>, vector<1280x128xf32>
    tpu.vector_store %arg5[%swap3A, %swap3A_20], %reshape3A_19 {strides = array<i32>} : memref<1280x128xf32, #tpu.memory_space<vmem>>, vector<1280x128xf32>,
    return
  }
  func.func @transform_0(%arg0: i32) -> (i32, i32) {
    %c0_i32 = arith.constant 0 : i32
    %c0_i32_0 = arith.constant 0 : i32
    return %arg0, %c0_i32 : i32, i32
  }
  func.func @transform_1(%arg0: i32) -> (i32, i32) {
    %c0_i32 = arith.constant 0 : i32
    %c0_i32_0 = arith.constant 0 : i32
    return %arg0, %c0_i32 : i32, i32
  }
  func.func @transform_2(%arg0: i32) -> (i32, i32, i32) {
    %c0_i32 = arith.constant 0 : i32
    %c0_i32_0 = arith.constant 0 : i32
    %c0_i32_1 = arith.constant 0 : i32
    return %arg0, %c0_i32, %c0_i32_0 : i32, i32, i32
  }
  func.func @transform_3(%arg0: i32) -> (i32, i32) {
    %c0_i32 = arith.constant 0 : i32
    %c0_i32_0 = arith.constant 0 : i32
    %c0_i32_1 = arith.constant 0 : i32
    return %c0_i32, %c0_i32_0 : i32, i32
  }
  func.func @transform_4(%arg0: i32) -> (i32, i32) {
    %c0_i32 = arith.constant 0 : i32
    %c0_i32_0 = arith.constant 0 : i32
    return %arg0, %c0_i32 : i32, i32
  }
}

</mosaic_0001>

<sc_bundles>
// kernel: kernel.11.cloned.1.call-start
scs
__scs_entry_jumppad:
0x0: {  	(pc) =	sbr.rel $0x88, $3  }
0x1: {  	(tag) =	ssettag $0x0;
	lr =	simm.s32 $0x1  }
0x2: {  	[smem:$0x3F9B] =	sst lr;
	_ =	strace $0xD0000000  }
0x3: {  	_ = 	snop  }
0x4: {  	_ = 	snop  }
0x5: {  	_ = 	snop  }
0x6: {  	_ = 	snop  }
0x7: {  	_ = 	snop  }
__scs_overlays_trampoline_lowered:
0x8: {  	[smem:$0x3FAA] =	sst s0  }
0x9: {  	[smem:$0x3FAB] =	sst s1  }
0xa: {  	[smem:$0x3FAC] =	sst s2  }
0xb: {  	[smem:$0x3FAD] =	sst s3  }
0xc: {  	[smem:$0x3FAE] =	sst s4  }
0xd: {  	[smem:$0x3FAF] =	sst s5  }
0xe: {  	[smem:$0x3FB0] =	sst s6  }
0xf: {  	[smem:$0x3FB1] =	sst s7  }
0x10: {  	[smem:$0x3FB2] =	sst s8  }
0x11: {  	[smem:$0x3FB3] =	sst s9;
	s0 =	simm.s32 @!p0 $0x0  }
0x12: {  	s1 =	sld [smem:$0x3F99];
	s0 =	simm.s32 @p0 $0x1  }
0x13: {  	[smem:$0x3FB4] =	sst s0;
	s0 =	simm.s32 @!p1 $0x0  }
0x14: {  	s2 =	sld [smem:$0x3F98];
	s0 =	simm.s32 @p1 $0x1  }
0x15: {  	[smem:$0x3FB5] =	sst s0;
	s0 =	simm.s32 @!p2 $0x0  }
0x16: {  	s3 =	sld [smem:$0x3FDB];
	s0 =	simm.s32 @p2 $0x1  }
0x17: {  	s4 =	simm.s32 $0x1BF5;
	[smem:$0x3FB7] =	sst s0  }
0x18: {  	s0 =	sld [smem:$0x3F9A];
	_ =	swait.ge [sflag:s4], $0x0  }
0x19: {  	s7 =	sld [smem:$0x3F9B]  }
0x1a: {  	s8 =	sadd.s32 $0xFFFFE003, lr  }
0x1b: {  	s9 =	sadd.s32 $0xFFFFFEF7, lr;
	s5 =	simm.s32 $0xFFFFFFFF;
	p2 =	slt.u32 s8, $0xFFFFF086  }
0x1c: {  	p1 =	slt.u32 s9, $0xF7A;
	s5 =	simm.s32 @!p2 $0x0  }
0x1d: {  	s5 =	simm.s32 @p1 $0x1;
	p0 =	seq.s32 s7, s2  }
0x1e: {  	s7 =	smul.u32 @!p0 $0xF7A, s2;
	p2 =	seq.s32 @!p0 s5, $0x0  }
0x1f: {  	s9 =	smul.u32 $0xF7A, s1;
	s8 =	simm.s32 @!p0 $0x1BF5;
	p2 =	por !p2, p0  }
0x20: {  	[sflag:s8] =	ssyncset.s32 @!p0 $0xFFFFF086;
	s6 =	sadd.s32 @!p0 s3, s7;
	s7 =	simm.s32 @!p0 $0x108  }
0x21: {  	s3 =	sadd.s32 s3, s9;
	s6 =	sadd.s32 @!p0 $0x88, s6;
	s7 =	simm.s32 @p2 $0x1082  }
0x22: {  	[simem:s7], [sflag:s8] =	dma.local @!p0 [hbm:s6], $0xF7A  }
0x23: {  	s9 =	sor.u32 $0xD0000000, s2;
	s6 =	simm.s32 $0x108;
	_ =	swait.ge @!p0 [sflag:s8], $0x0  }
0x24: {  	s3 =	sadd.s32 $0x88, s3;
	s6 =	simm.s32 @!p1 $0x1082;
	[sflag:s4] =	ssyncset.s32 $0xFFFFF086  }
0x25: {  	[simem:s6], [sflag:s4] =	dma.local [hbm:s3], $0xF7A  }
0x26: {  	[smem:$0x3F9B] =	sst s1;
	(tag) =	ssettag s2;
	_ =	strace s9  }
0x27: {  	s1 =	sld [smem:$0x3FAB]  }
0x28: {  	s2 =	sld [smem:$0x3FAC]  }
0x29: {  	s4 =	sld [smem:$0x3FAE]  }
0x2a: {  	p0 =	seq.s32 s5, $0x0;
	s5 =	sld [smem:$0x3FAF]  }
0x2b: {  	s6 =	sld [smem:$0x3FB0]  }
0x2c: {  	s7 =	sld [smem:$0x3FB1]  }
0x2d: {  	s3 =	simm.s32 $0x108;
	s8 =	sld [smem:$0x3FB2]  }
0x2e: {  	s3 =	simm.s32 @!p0 $0x1082;
	s9 =	sld [smem:$0x3FB3]  }
0x2f: {  	lr =	sadd.s32 s0, s3;
	s0 =	sld [smem:$0x3FAA]  }
0x30: {  	s3 =	sld [smem:$0x3FAD]  }
0x31: {  	[smem:$0x3FB6] =	sst s10  }
0x32: {  	s10 =	sld [smem:$0x3FB4];
	_ =	sdelay $0x3  }
0x33: {  	p0 =	seq.s32 s10, $0x1;
	s10 =	sld [smem:$0x3FB6];
	_ =	sdelay $0x3  }
0x34: {  	[smem:$0x3FB6] =	sst s10  }
0x35: {  	s10 =	sld [smem:$0x3FB5];
	_ =	sdelay $0x3  }
0x36: {  	p1 =	seq.s32 s10, $0x1;
	s10 =	sld [smem:$0x3FB6];
	_ =	sdelay $0x3  }
0x37: {  	[smem:$0x3FB6] =	sst s10  }
0x38: {  	s10 =	sld [smem:$0x3FB7]  }
0x39: {  	_ = 	snop;
	(pc) =	sbr.ind lr, $3  }
0x3a: {  	_ = 	snop  }
0x3b: {  	_ = 	snop  }
0x3c: {  	p2 =	seq.s32 s10, $0x1;
	s10 =	sld [smem:$0x3FB6]  }
0x3d: {  	_ =	shalt  }
0x3e: {  	_ =	shalt  }
0x3f: {  	_ =	shalt  }
0x40: {  	_ =	shalt  }
0x41: {  	_ =	shalt  }
0x42: {  	_ =	shalt  }
0x43: {  	_ =	shalt  }
0x44: {  	_ =	shalt  }
0x45: {  	_ =	shalt  }
0x46: {  	_ =	shalt  }
0x47: {  	_ =	shalt  }
0x48: {  	_ =	shalt  }
0x49: {  	_ =	shalt  }
0x4a: {  	_ =	shalt  }
0x4b: {  	_ =	shalt  }
0x4c: {  	_ =	shalt  }
0x4d: {  	_ =	shalt  }
0x4e: {  	_ =	shalt  }
0x4f: {  	_ =	shalt  }
0x50: {  	_ =	shalt  }
0x51: {  	_ =	shalt  }
0x52: {  	_ =	shalt  }
0x53: {  	_ =	shalt  }
0x54: {  	_ =	shalt  }
0x55: {  	_ =	shalt  }
0x56: {  	_ =	shalt  }
0x57: {  	_ =	shalt  }
0x58: {  	_ =	shalt  }
0x59: {  	_ =	shalt  }
0x5a: {  	_ =	shalt  }
0x5b: {  	_ =	shalt  }
0x5c: {  	_ =	shalt  }
0x5d: {  	_ =	shalt  }
0x5e: {  	_ =	shalt  }
0x5f: {  	_ =	shalt  }
0x60: {  	_ =	shalt  }
0x61: {  	_ =	shalt  }
0x62: {  	_ =	shalt  }
0x63: {  	_ =	shalt  }
0x64: {  	_ =	shalt  }
0x65: {  	_ =	shalt  }
0x66: {  	_ =	shalt  }
0x67: {  	_ =	shalt  }
0x68: {  	_ =	shalt  }
0x69: {  	_ =	shalt  }
0x6a: {  	_ =	shalt  }
0x6b: {  	_ =	shalt  }
0x6c: {  	_ =	shalt  }
0x6d: {  	_ =	shalt  }
0x6e: {  	_ =	shalt  }
0x6f: {  	_ =	shalt  }
0x70: {  	_ =	shalt  }
0x71: {  	_ =	shalt  }
0x72: {  	_ =	shalt  }
0x73: {  	_ =	shalt  }
0x74: {  	_ =	shalt  }
0x75: {  	_ =	shalt  }
0x76: {  	_ =	shalt  }
0x77: {  	_ =	shalt  }
0x78: {  	_ =	shalt  }
0x79: {  	_ =	shalt  }
0x7a: {  	_ =	shalt  }
0x7b: {  	_ =	shalt  }
0x7c: {  	_ =	shalt  }
0x7d: {  	_ =	shalt  }
0x7e: {  	_ =	shalt  }
0x7f: {  	_ =	shalt  }
0x80: {  	_ =	shalt  }
0x81: {  	_ =	shalt  }
0x82: {  	_ =	shalt  }
0x83: {  	_ =	shalt  }
0x84: {  	_ =	shalt  }
0x85: {  	_ =	shalt  }
0x86: {  	_ =	shalt  }
0x87: {  	_ =	shalt  }
.Lfunc_end0:
.L_simem_size_0:
called_computation.1_lowered:
.L_overlay_start_0:
0x88: {  	s2 =	sld [smem:$0x3FD9]  }
0x89: {  	s3 =	sld [smem:$0x3FFE];
	_ =	sdelay $0x1  }
0x8a: {  	s1 =	srdreg.scid  }
0x8b: {  	s0 =	sand.u32 $0x1, s1  }
0x8c: {  	s16 =	sshll.u32 s0, $0xA;
	s2 =	sadd.s32 s3, s2  }
0x8d: {  	s2 =	sadd.s32 s2, s16  }
0x8e: {  	[smem:$0x3FC2] =	sst s2  }
0x8f: {  	_ = 	snop  }
0x90: {  	(tm) =	ssettm $0x1  }
0x91: {  	s17 =	sld [smem:$0x3FFB];
	_ =	sdelay $0x3  }
0x92: {  	_ =	strace s17  }
0x93: {  	s2 =	sld [smem:$0x3FFC];
	_ =	sdelay $0x3  }
0x94: {  	_ =	strace s2  }
0x95: {  	s2 =	sld [smem:$0x3FFD];
	_ =	sdelay $0x3  }
0x96: {  	_ =	strace s2  }
0x97: {  	_ =	strace $0x8FFFFFFF  }
0x98: {  	s18 =	sld [smem:$0x3FDB];
	_ =	sdelay $0x1  }
0x99: {  	s19 =	simm.s32 $_scs_section_size  }
0x9a: {  	s4 =	simm.s32 $_size__tile_overlayer_lowered;
	s5 =	simm.s32 $_tile_overlayer_lowered  }
0x9b: {  	s22 =	simm.s32 $0x1BFF;
	s21 =	sshll.u32 s5, $0x1;
	s2 =	sadd.s32 s19, s18  }
0x9c: {  	s6 =	simm.s32 $0x0;
	s20 =	sshll.u32 s4, $0x1;
	s4 =	sadd.s32 s21, s2  }
0x9d: {  	[timem:s6], [sflag:s22] =	dma.local [hbm:s4], s20  }
0x9e: {  	_ =	swait.ge [sflag:s22], s20  }
0x9f: {  	s3 =	ssub.s32 $0x0, s20;
	[sflag:s22] =	ssyncset.done $0x0  }
0xa0: {  	[sflag:s22] =	ssyncadd.s32 s3;
	_ =	sdelay $0x1  }
0xa1: {  	s23 =	simm.s32 $0x1B8B  }
0xa2: {  	_ =	swait.ge [sflag:s23], $0x1  }
0xa3: {  	[sflag:s23] =	ssyncset.done $0x0  }
0xa4: {  	s25 =	simm.s32 $0x1B8E;
	s24 =	sld [smem:$0x3FFE];
	[sflag:s23] =	ssyncadd.s32 $0xFFFFFFFF  }
0xa5: {  	s26 =	simm.s32 $execute0_lowered;
	[smem:$0x3FD2] =	sst s25  }
0xa6: {  	s4 =	sshll.u32 s26, $0x1;
	_ =	strace $0x80000049;
	[dreg:$0x1] =	wrdreg $0xFFFFFFFF  }
0xa7: {  	s28 =	simm.s32 $_size_execute0_lowered;
	s2 =	sadd.s32 s2, s4;
	[dreg:$0x0] =	wrdreg $0x0  }
0xa8: {  	s4 =	sshll.u32 s28, $0x1;
	[dreg:$0x2] =	wrdreg s2  }
0xa9: {  	[dreg:$0x3] =	wrdreg s4  }
0xaa: {  	[dreg:$0x4] =	wrdreg $0xC0  }
0xab: {  	_ =	task [dreg:s6], $0x5FFFF  }
0xac: {  	[dreg:$0x1] =	wrdreg $0xFFFFFFFF  }
0xad: {  	[dreg:$0x0] =	wrdreg $0x60  }
0xae: {  	[dreg:$0x2] =	wrdreg s24  }
0xaf: {  	[dreg:$0x3] =	wrdreg $0xA8000  }
0xb0: {  	[dreg:$0x4] =	wrdreg $0x9  }
0xb1: {  	_ =	task.clear_ibuf [dreg:s6], $0x5FFFF;
	_ =	strace $0x90000049  }
0xb2: {  	s29 =	simm.s32 $0x9;
	_ =	strace $0x8000004B  }
0xb3: {  	_ =	swait.ge [sflag:s29], $0x1  }
0xb4: {  	[sflag:s29] =	ssyncadd.s32 $0xFFFFFFFF  }
0xb5: {  	_ =	strace $0x9000004B  }
0xb6: {  	_ =	sfence  }
0xb7: {  	s30 =	sld [smem:$0x0];
	_ =	sdelay $0x2  }
0xb8: {  	s31 =	sshll.u32 s1, $0xD;
	s1 =	sshrl.u32 s1, $0x2  }
0xb9: {  	s3 =	sand.u32 $0x4000, s31;
	s1 =	sadd.s32 s1, s30  }
0xba: {  	s0 =	sor.u32 s3, s0;
	s1 =	sshll.u32 s1, $0x11  }
0xbb: {  	s0 =	sor.u32 s1, s0  }
0xbc: {  	s0 =	sadd.s32 $0x8F2B, s0  }
0xbd: {  	[sflag:s0] =	ssyncadd.remote.s32 $0x1  }
0xbe: {  	_ =	sfence.sel $0xFFFF  }
0xbf: {  	[dreg:$0x0] =	wrdreg $0xFFFFFFFF;
	(pc) =	sbr.abs _section_cstart, $3  }
0xc0: {  	[dreg:$0x1] =	wrdreg $0xFFFFFFFF  }
0xc1: {  	_ =	task.clear_ibuf [dreg:s6], $0x2FFFF;
	_ =	strace $0x9FFFFFFF  }
0xc2: {  	(tm) =	ssettm $0x7FFFFFFF  }
0xc3: {  	_ =	shalt  }
tec
execute0_lowered:
.L_overlay_start_1:
0x0: {  	(tag) =	ssettag $0x1  }
0x1: {  	s5 =	rddreg [dreg:$0x0]  }
0x2: {  	s1 =	rddreg [dreg:$0x1];
	s2 =	srdreg.scid  }
0x3: {  	s0 =	rddreg [dreg:$0x2];
	s3 =	simm.s32 $0x0;
	s14 =	simm.s32 $0x5  }
0x4: {  	s15 =	simm.s32 $0x1400;
	s16 =	simm.s32 $0x80;
	s17 =	simm.s32 $0x2800  }
0x5: {  	s18 =	simm.s32 $0x6800;
	s19 =	simm.s32 $0x1;
	s20 =	simm.s32 $0x2  }
0x6: {  	s21 =	simm.s32 $0x3;
	s22 =	simm.s32 $0x4;
	s23 =	simm.s32 $0x2700  }
0x7: {  	s24 =	simm.s32 $0x1380;
	s26 =	simm.s32 $0x2780;
	s6 =	sand.u32 $0x1, s2  }
0x8: {  	s28 =	simm.s32 $0x0;
	s2 =	stileid.u32;
	s7 =	smul.u32 $0x140000, s6  }
0x9: {  	[smem:$0x7FF] =	sst s3;
	s4 =	sshll.u32 s6, $0x4;
	s9 =	smul.u32 $0x14000, s2  }
0xa: {  	_ =	strace $0x8000004A;
	s6 =	ssub.s32 $0x2, s6;
	s30 =	smul.u32 $0x50000, s2  }
0xb: {  	s25 =	sshll.u32 s2, $0x6;
	s8 =	sor.u32 s2, s4;
	s4 =	sadd.s32 $0xC000, s5  }
0xc: {  	s10 =	sshrl.u32 s6, $0x1;
	s25 =	sor.u32 $0x1C05, s25;
	s8 =	smul.u32 $0x280, s8  }
0xd: {  	s7 =	sadd.s32 s9, s7;
	s13 =	ssub.s32 s6, s10;
	s31 =	sshrl.u32 s30, $0x2  }
0xe: {  	s7 =	sshrl.u32 s7, $0x3;
	s13 =	smax.u32 s13, $0x1;
	s8 =	sadd.s32 s8, s5  }
0xf: {  	s12 =	sadd.s32 s7, s5;
	s7 =	sadd.s32 s31, s1;
	s5 =	sadd.s32 $0x7000, s8  }
0x10: {  	s6 =	sadd.s32 $0x2000, s8;
	s8 =	sadd.s32 $0x4000, s7;
	s9 =	sadd.s32 $0x8000, s7  }
0x11: {  	v0 =	vimm.f32 $0.0e+00;
	s10 =	sadd.s32 $0xC000, s7;
	s11 =	sadd.s32 $0x10000, s7;
	s12 =	sadd.s32 $0x34000, s12  }
.LBB2_1:
0x12: {  	[tilespmem:s3], [sflag:$0x5] =	stream.linear.gather [hbm4b:s5+s3], $0x1400, $0x38;
	[tilespmem:$0x1E800] =	vst v63  }
0x13: {  	_ =	swait.ge [sflag:s14], $0x1400  }
0x14: {  	[sflag:s14] =	ssyncset.done $0x0  }
0x15: {  	[sflag:s14] =	ssyncadd.s32 $0xFFFFEC00  }
0x16: {  	[tilespmem:s15], [sflag:$0x5] =	stream.linear.gather [hbm4b:s6+s3], $0x1400, $0x38;
	[tilespmem:$0x1E800] =	vst v63  }
0x17: {  	_ =	swait.ge [sflag:s14], $0x1400  }
0x18: {  	[sflag:s14] =	ssyncset.done $0x0  }
0x19: {  	s29 =	simm.s32 $0x0;
	s30 =	simm.s32 $0x200;
	[sflag:s14] =	ssyncadd.s32 $0xFFFFEC00  }
0x1a: {  	[tilespmem:s17], [sflag:$0x1] =	stream.indirect.gather [hbm4b:s4+s16], $0x80, s3, s16, $0xb8;
	[tilespmem:$0x1E800] =	vst v63  }
.LBB2_2:
0x1b: {  	p0 =	sne.s32 s30, $0xFE00;
	[tilespmem:s29+$0x6870] =	vst v0  }
0x1c: {  	[tilespmem:s29+$0x6800] =	vst v0  }
0x1d: {  	[tilespmem:s29+$0x6810] =	vst v0  }
.Ltmp0:
0x1e: {  	[tilespmem:s29+$0x6820] =	vst v0;
	(pc) =	sbr.rel @p0 .LBB2_2-.Ltmp0, $4  }
0x1f: {  	[tilespmem:s29+$0x6830] =	vst v0  }
0x20: {  	[tilespmem:s29+$0x6840] =	vst v0  }
0x21: {  	[tilespmem:s29+$0x6850] =	vst v0  }
0x22: {  	[tilespmem:s29+$0x6860] =	vst v0;
	s29 =	sshra.s32 s30, $0x2;
	s30 =	sadd.s32 $0x200, s30  }
0x23: {  	[tilespmem:s29+$0x6870] =	vst v0  }
0x24: {  	[tilespmem:s29+$0x6800] =	vst v0  }
0x25: {  	[tilespmem:s29+$0x6810] =	vst v0  }
0x26: {  	[tilespmem:s29+$0x6820] =	vst v0  }
0x27: {  	[tilespmem:s29+$0x6830] =	vst v0  }
0x28: {  	[tilespmem:s29+$0x6840] =	vst v0  }
0x29: {  	[tilespmem:s29+$0x6850] =	vst v0  }
0x2a: {  	[tilespmem:s29+$0x6860] =	vst v0  }
0x2b: {  	[spmem:s7] =	stream.linear.scatter [tilespmem:s18], [sflag:$0x5], $0x4000, $0x38;
	[tilespmem:$0x1E800] =	vst v63  }
0x2c: {  	_ =	swait.ge [sflag:s14], $0x4000  }
0x2d: {  	[sflag:s14] =	ssyncset.done $0x0  }
0x2e: {  	[sflag:s14] =	ssyncadd.s32 $0xFFFFC000  }
0x2f: {  	[spmem:s8] =	stream.linear.scatter [tilespmem:s18], [sflag:$0x5], $0x4000, $0x38;
	[tilespmem:$0x1E800] =	vst v63  }
0x30: {  	_ =	swait.ge [sflag:s14], $0x4000  }
0x31: {  	[sflag:s14] =	ssyncset.done $0x0  }
0x32: {  	[sflag:s14] =	ssyncadd.s32 $0xFFFFC000  }
0x33: {  	[spmem:s9] =	stream.linear.scatter [tilespmem:s18], [sflag:$0x5], $0x4000, $0x38;
	[tilespmem:$0x1E800] =	vst v63  }
0x34: {  	_ =	swait.ge [sflag:s14], $0x4000  }
0x35: {  	[sflag:s14] =	ssyncset.done $0x0  }
0x36: {  	[sflag:s14] =	ssyncadd.s32 $0xFFFFC000  }
0x37: {  	[spmem:s10] =	stream.linear.scatter [tilespmem:s18], [sflag:$0x5], $0x4000, $0x38;
	[tilespmem:$0x1E800] =	vst v63  }
0x38: {  	_ =	swait.ge [sflag:s14], $0x4000  }
0x39: {  	[sflag:s14] =	ssyncset.done $0x0  }
0x3a: {  	[sflag:s14] =	ssyncadd.s32 $0xFFFFC000  }
0x3b: {  	[spmem:s11] =	stream.linear.scatter [tilespmem:s18], [sflag:$0x5], $0x4000, $0x38;
	[tilespmem:$0x1E800] =	vst v63  }
0x3c: {  	_ =	swait.ge [sflag:s14], $0x4000  }
0x3d: {  	[sflag:s14] =	ssyncset.done $0x0  }
0x3e: {  	[sflag:s14] =	ssyncadd.s32 $0xFFFFC000  }
0x3f: {  	[bflag:$0x0] =	sbarrier.arrive $0xFFFF  }
0x40: {  	_ =	swait.ge [sflag:s19], $0x4000  }
0x41: {  	[sflag:s19] =	ssyncset.done $0x0  }
0x42: {  	s29 =	simm.s32 $0x1400;
	[sflag:s19] =	ssyncadd.s32 $0xFFFFC000  }
0x43: {  	[spmem:s1] =	stream.indirect.scatter.add.f32 [tilespmem:s17], [sflag:$0x3], $0x80, s29, s16, $0xb8;
	[tilespmem:$0x1E800] =	vst v63  }
0x44: {  	s29 =	simm.s32 $0x80  }
0x45: {  	[tilespmem:s18], [sflag:$0x2] =	stream.indirect.gather [hbm4b:s4+s16], $0x80, s29, s16, $0xb8;
	[tilespmem:$0x1E800] =	vst v63  }
0x46: {  	_ =	swait.ge [sflag:s20], $0x4000  }
0x47: {  	[sflag:s20] =	ssyncset.done $0x0  }
0x48: {  	s29 =	simm.s32 $0x1480;
	[sflag:s20] =	ssyncadd.s32 $0xFFFFC000  }
0x49: {  	[spmem:s1] =	stream.indirect.scatter.add.f32 [tilespmem:s18], [sflag:$0x4], $0x80, s29, s16, $0xb8;
	[tilespmem:$0x1E800] =	vst v63  }
0x4a: {  	_ =	swait.ge [sflag:s21], $0x4000  }
0x4b: {  	[sflag:s21] =	ssyncset.done $0x0  }
0x4c: {  	s29 =	simm.s32 $0x100;
	[sflag:s21] =	ssyncadd.s32 $0xFFFFC000  }
0x4d: {  	[tilespmem:s17], [sflag:$0x1] =	stream.indirect.gather [hbm4b:s4+s16], $0x80, s29, s16, $0xb8;
	[tilespmem:$0x1E800] =	vst v63  }
0x4e: {  	_ =	swait.ge [sflag:s22], $0x4000  }
0x4f: {  	s29 =	simm.s32 $0x400;
	[sflag:s22] =	ssyncset.done $0x0  }
.LBB2_4:
0x50: {  	p0 =	sne.s32 s29, $0x4800  }
0x51: {  	[sflag:s22] =	ssyncadd.s32 $0xFFFFC000;
	s30 =	smov.u32 s29;
	s29 =	sadd.s32 $0x400, s29  }
0x52: {  	_ =	swait.ge [sflag:s19], $0x4000  }
0x53: {  	s30 =	sshra.s32 s30, $0x2;
	[sflag:s19] =	ssyncset.done $0x0  }
0x54: {  	s31 =	sadd.s32 $0x1400, s30;
	[sflag:s19] =	ssyncadd.s32 $0xFFFFC000  }
0x55: {  	[spmem:s1] =	stream.indirect.scatter.add.f32 [tilespmem:s17], [sflag:$0x3], $0x80, s31, s16, $0xb8;
	[tilespmem:$0x1E800] =	vst v63  }
0x56: {  	s31 =	sadd.s32 $0x80, s30  }
0x57: {  	[tilespmem:s18], [sflag:$0x2] =	stream.indirect.gather [hbm4b:s4+s16], $0x80, s31, s16, $0xb8;
	[tilespmem:$0x1E800] =	vst v63  }
0x58: {  	_ =	swait.ge [sflag:s20], $0x4000  }
0x59: {  	[sflag:s20] =	ssyncset.done $0x0  }
0x5a: {  	s31 =	sadd.s32 $0x1480, s30;
	[sflag:s20] =	ssyncadd.s32 $0xFFFFC000  }
0x5b: {  	[spmem:s1] =	stream.indirect.scatter.add.f32 [tilespmem:s18], [sflag:$0x4], $0x80, s31, s16, $0xb8;
	[tilespmem:$0x1E800] =	vst v63  }
0x5c: {  	_ =	swait.ge [sflag:s21], $0x4000  }
.Ltmp1:
0x5d: {  	[sflag:s21] =	ssyncset.done $0x0;
	(pc) =	sbr.rel @p0 .LBB2_4-.Ltmp1, $4  }
0x5e: {  	s30 =	sadd.s32 $0x100, s30;
	[sflag:s21] =	ssyncadd.s32 $0xFFFFC000  }
0x5f: {  	[tilespmem:s17], [sflag:$0x1] =	stream.indirect.gather [hbm4b:s4+s16], $0x80, s30, s16, $0xb8;
	[tilespmem:$0x1E800] =	vst v63  }
0x60: {  	_ =	swait.ge [sflag:s22], $0x4000  }
0x61: {  	[sflag:s22] =	ssyncset.done $0x0  }
0x62: {  	[sflag:s22] =	ssyncadd.s32 $0xFFFFC000  }
0x63: {  	_ =	swait.ge [sflag:s19], $0x4000  }
0x64: {  	[sflag:s19] =	ssyncset.done $0x0  }
0x65: {  	[sflag:s19] =	ssyncadd.s32 $0xFFFFC000  }
0x66: {  	[spmem:s1] =	stream.indirect.scatter.add.f32 [tilespmem:s17], [sflag:$0x3], $0x80, s23, s16, $0xb8;
	[tilespmem:$0x1E800] =	vst v63  }
0x67: {  	_ = 	snop  }
0x68: {  	[tilespmem:s18], [sflag:$0x2] =	stream.indirect.gather [hbm4b:s4+s16], $0x80, s24, s16, $0xb8;
	[tilespmem:$0x1E800] =	vst v63  }
0x69: {  	_ =	swait.ge [sflag:s20], $0x4000  }
0x6a: {  	[sflag:s20] =	ssyncset.done $0x0  }
0x6b: {  	[sflag:s20] =	ssyncadd.s32 $0xFFFFC000  }
0x6c: {  	[spmem:s1] =	stream.indirect.scatter.add.f32 [tilespmem:s18], [sflag:$0x4], $0x80, s26, s16, $0xb8;
	[tilespmem:$0x1E800] =	vst v63  }
0x6d: {  	_ =	swait.ge [sflag:s21], $0x4000  }
0x6e: {  	[sflag:s21] =	ssyncset.done $0x0  }
0x6f: {  	[sflag:s21] =	ssyncadd.s32 $0xFFFFC000  }
0x70: {  	_ =	swait.ge [sflag:s22], $0x4000  }
0x71: {  	s28 =	sadd.s32 $0x1, s28;
	[sflag:s22] =	ssyncset.done $0x0  }
0x72: {  	p0 =	sne.s32 s28, s13;
	[sflag:s22] =	ssyncadd.s32 $0xFFFFC000  }
.Ltmp2:
0x73: {  	s29 =	sshrl.u32 s7, $0x3;
	[bflag:$0x0] =	sbarrier.arrive $0xFFFF;
	(pc) =	sbr.rel @p0 .LBB2_1-.Ltmp2, $4  }
0x74: {  	[hbm:s12], [sflag:s25] =	dma.local [spmem:s29], $0x2800  }
0x75: {  	_ =	swait.ge [sflag:s14], $0x2800  }
0x76: {  	[sflag:s14] =	ssyncset.done $0x0  }
0x77: {  	[sflag:s14] =	ssyncadd.s32 $0xFFFFD800  }
0x78: {  	_ =	sfence.sel $0x180000  }
0x79: {  	[bflag:$0x0] =	sbarrier.arrive $0xFFFF  }
0x7a: {  	p0 =	sne.s32 s2, $0x0;
	_ =	strace $0x9000004A  }
0x7b: {  	s0 =	sadd.s32 @!p0 $0x100000, s0;
	[bflag:$0x2] =	sbarrier.arrive $0xFFFF  }
0x7c: {  	[sflag:s0] =	ssyncadd.tile.s32 @!p0 $0x1;
	_ =	shalt  }
.Lfunc_end2:
_tile_overlayer_lowered:
.L_overlay_start_2:
0x7d: {  	(tag) =	ssettag $0x2  }
0x7e: {  	s0 =	rddreg [dreg:$0x0];
	s2 =	stileid.u32  }
0x7f: {  	s1 =	rddreg [dreg:$0x1];
	p0 =	sne.s32 s2, $0x0  }
0x80: {  	s3 =	rddreg [dreg:$0x2];
	[bflag:$0x3] =	sbarrier.arrive $0xFFFF;
	s2 =	simm.s32 @!p0 $0x1C05  }
0x81: {  	[timem:s3], [sflag:s2] =	dma.local @!p0 [hbm:s0], s1  }
0x82: {  	s0 =	simm.s32 @!p0 $0x5  }
0x83: {  	_ =	swait.ge @!p0 [sflag:s0], s1  }
0x84: {  	s1 =	ssub.s32 @!p0 $0x0, s1;
	[sflag:s0] =	ssyncset.done @!p0 $0x0  }
0x85: {  	[sflag:s0] =	ssyncadd.s32 @!p0 s1  }
0x86: {  	[bflag:$0x3] =	sbarrier.arrive $0xFFFF  }
0x87: {  	_ =	shalt  }

// kernel: kernel.14.cloned.1.call-start
scs
__scs_entry_jumppad:
0x0: {  	(pc) =	sbr.rel $0x88, $3  }
0x1: {  	(tag) =	ssettag $0x0;
	lr =	simm.s32 $0x1  }
0x2: {  	[smem:$0x3F9B] =	sst lr;
	_ =	strace $0xD0000000  }
0x3: {  	_ = 	snop  }
0x4: {  	_ = 	snop  }
0x5: {  	_ = 	snop  }
0x6: {  	_ = 	snop  }
0x7: {  	_ = 	snop  }
__scs_overlays_trampoline_lowered:
0x8: {  	[smem:$0x3FAA] =	sst s0  }
0x9: {  	[smem:$0x3FAB] =	sst s1  }
0xa: {  	[smem:$0x3FAC] =	sst s2  }
0xb: {  	[smem:$0x3FAD] =	sst s3  }
0xc: {  	[smem:$0x3FAE] =	sst s4  }
0xd: {  	[smem:$0x3FAF] =	sst s5  }
0xe: {  	[smem:$0x3FB0] =	sst s6  }
0xf: {  	[smem:$0x3FB1] =	sst s7  }
0x10: {  	[smem:$0x3FB2] =	sst s8  }
0x11: {  	[smem:$0x3FB3] =	sst s9;
	s0 =	simm.s32 @!p0 $0x0  }
0x12: {  	s1 =	sld [smem:$0x3F99];
	s0 =	simm.s32 @p0 $0x1  }
0x13: {  	[smem:$0x3FB4] =	sst s0;
	s0 =	simm.s32 @!p1 $0x0  }
0x14: {  	s2 =	sld [smem:$0x3F98];
	s0 =	simm.s32 @p1 $0x1  }
0x15: {  	[smem:$0x3FB5] =	sst s0;
	s0 =	simm.s32 @!p2 $0x0  }
0x16: {  	s3 =	sld [smem:$0x3FDB];
	s0 =	simm.s32 @p2 $0x1  }
0x17: {  	s4 =	simm.s32 $0x1BF5;
	[smem:$0x3FB7] =	sst s0  }
0x18: {  	s0 =	sld [smem:$0x3F9A];
	_ =	swait.ge [sflag:s4], $0x0  }
0x19: {  	s7 =	sld [smem:$0x3F9B]  }
0x1a: {  	s8 =	sadd.s32 $0xFFFFE003, lr  }
0x1b: {  	s9 =	sadd.s32 $0xFFFFFEF7, lr;
	s5 =	simm.s32 $0xFFFFFFFF;
	p2 =	slt.u32 s8, $0xFFFFF086  }
0x1c: {  	p1 =	slt.u32 s9, $0xF7A;
	s5 =	simm.s32 @!p2 $0x0  }
0x1d: {  	s5 =	simm.s32 @p1 $0x1;
	p0 =	seq.s32 s7, s2  }
0x1e: {  	s7 =	smul.u32 @!p0 $0xF7A, s2;
	p2 =	seq.s32 @!p0 s5, $0x0  }
0x1f: {  	s9 =	smul.u32 $0xF7A, s1;
	s8 =	simm.s32 @!p0 $0x1BF5;
	p2 =	por !p2, p0  }
0x20: {  	[sflag:s8] =	ssyncset.s32 @!p0 $0xFFFFF086;
	s6 =	sadd.s32 @!p0 s3, s7;
	s7 =	simm.s32 @!p0 $0x108  }
0x21: {  	s3 =	sadd.s32 s3, s9;
	s6 =	sadd.s32 @!p0 $0x88, s6;
	s7 =	simm.s32 @p2 $0x1082  }
0x22: {  	[simem:s7], [sflag:s8] =	dma.local @!p0 [hbm:s6], $0xF7A  }
0x23: {  	s9 =	sor.u32 $0xD0000000, s2;
	s6 =	simm.s32 $0x108;
	_ =	swait.ge @!p0 [sflag:s8], $0x0  }
0x24: {  	s3 =	sadd.s32 $0x88, s3;
	s6 =	simm.s32 @!p1 $0x1082;
	[sflag:s4] =	ssyncset.s32 $0xFFFFF086  }
0x25: {  	[simem:s6], [sflag:s4] =	dma.local [hbm:s3], $0xF7A  }
0x26: {  	[smem:$0x3F9B] =	sst s1;
	(tag) =	ssettag s2;
	_ =	strace s9  }
0x27: {  	s1 =	sld [smem:$0x3FAB]  }
0x28: {  	s2 =	sld [smem:$0x3FAC]  }
0x29: {  	s4 =	sld [smem:$0x3FAE]  }
0x2a: {  	p0 =	seq.s32 s5, $0x0;
	s5 =	sld [smem:$0x3FAF]  }
0x2b: {  	s6 =	sld [smem:$0x3FB0]  }
0x2c: {  	s7 =	sld [smem:$0x3FB1]  }
0x2d: {  	s3 =	simm.s32 $0x108;
	s8 =	sld [smem:$0x3FB2]  }
0x2e: {  	s3 =	simm.s32 @!p0 $0x1082;
	s9 =	sld [smem:$0x3FB3]  }
0x2f: {  	lr =	sadd.s32 s0, s3;
	s0 =	sld [smem:$0x3FAA]  }
0x30: {  	s3 =	sld [smem:$0x3FAD]  }
0x31: {  	[smem:$0x3FB6] =	sst s10  }
0x32: {  	s10 =	sld [smem:$0x3FB4];
	_ =	sdelay $0x3  }
0x33: {  	p0 =	seq.s32 s10, $0x1;
	s10 =	sld [smem:$0x3FB6];
	_ =	sdelay $0x3  }
0x34: {  	[smem:$0x3FB6] =	sst s10  }
0x35: {  	s10 =	sld [smem:$0x3FB5];
	_ =	sdelay $0x3  }
0x36: {  	p1 =	seq.s32 s10, $0x1;
	s10 =	sld [smem:$0x3FB6];
	_ =	sdelay $0x3  }
0x37: {  	[smem:$0x3FB6] =	sst s10  }
0x38: {  	s10 =	sld [smem:$0x3FB7]  }
0x39: {  	_ = 	snop;
	(pc) =	sbr.ind lr, $3  }
0x3a: {  	_ = 	snop  }
0x3b: {  	_ = 	snop  }
0x3c: {  	p2 =	seq.s32 s10, $0x1;
	s10 =	sld [smem:$0x3FB6]  }
0x3d: {  	_ =	shalt  }
0x3e: {  	_ =	shalt  }
0x3f: {  	_ =	shalt  }
0x40: {  	_ =	shalt  }
0x41: {  	_ =	shalt  }
0x42: {  	_ =	shalt  }
0x43: {  	_ =	shalt  }
0x44: {  	_ =	shalt  }
0x45: {  	_ =	shalt  }
0x46: {  	_ =	shalt  }
0x47: {  	_ =	shalt  }
0x48: {  	_ =	shalt  }
0x49: {  	_ =	shalt  }
0x4a: {  	_ =	shalt  }
0x4b: {  	_ =	shalt  }
0x4c: {  	_ =	shalt  }
0x4d: {  	_ =	shalt  }
0x4e: {  	_ =	shalt  }
0x4f: {  	_ =	shalt  }
0x50: {  	_ =	shalt  }
0x51: {  	_ =	shalt  }
0x52: {  	_ =	shalt  }
0x53: {  	_ =	shalt  }
0x54: {  	_ =	shalt  }
0x55: {  	_ =	shalt  }
0x56: {  	_ =	shalt  }
0x57: {  	_ =	shalt  }
0x58: {  	_ =	shalt  }
0x59: {  	_ =	shalt  }
0x5a: {  	_ =	shalt  }
0x5b: {  	_ =	shalt  }
0x5c: {  	_ =	shalt  }
0x5d: {  	_ =	shalt  }
0x5e: {  	_ =	shalt  }
0x5f: {  	_ =	shalt  }
0x60: {  	_ =	shalt  }
0x61: {  	_ =	shalt  }
0x62: {  	_ =	shalt  }
0x63: {  	_ =	shalt  }
0x64: {  	_ =	shalt  }
0x65: {  	_ =	shalt  }
0x66: {  	_ =	shalt  }
0x67: {  	_ =	shalt  }
0x68: {  	_ =	shalt  }
0x69: {  	_ =	shalt  }
0x6a: {  	_ =	shalt  }
0x6b: {  	_ =	shalt  }
0x6c: {  	_ =	shalt  }
0x6d: {  	_ =	shalt  }
0x6e: {  	_ =	shalt  }
0x6f: {  	_ =	shalt  }
0x70: {  	_ =	shalt  }
0x71: {  	_ =	shalt  }
0x72: {  	_ =	shalt  }
0x73: {  	_ =	shalt  }
0x74: {  	_ =	shalt  }
0x75: {  	_ =	shalt  }
0x76: {  	_ =	shalt  }
0x77: {  	_ =	shalt  }
0x78: {  	_ =	shalt  }
0x79: {  	_ =	shalt  }
0x7a: {  	_ =	shalt  }
0x7b: {  	_ =	shalt  }
0x7c: {  	_ =	shalt  }
0x7d: {  	_ =	shalt  }
0x7e: {  	_ =	shalt  }
0x7f: {  	_ =	shalt  }
0x80: {  	_ =	shalt  }
0x81: {  	_ =	shalt  }
0x82: {  	_ =	shalt  }
0x83: {  	_ =	shalt  }
0x84: {  	_ =	shalt  }
0x85: {  	_ =	shalt  }
0x86: {  	_ =	shalt  }
0x87: {  	_ =	shalt  }
.Lfunc_end0:
.L_simem_size_0:
called_computation.2_lowered:
.L_overlay_start_0:
0x88: {  	s2 =	sld [smem:$0x3FD9]  }
0x89: {  	s3 =	sld [smem:$0x3FFE];
	_ =	sdelay $0x1  }
0x8a: {  	s1 =	srdreg.scid  }
0x8b: {  	s0 =	sand.u32 $0x1, s1  }
0x8c: {  	s16 =	sshll.u32 s0, $0xA;
	s2 =	sadd.s32 s3, s2  }
0x8d: {  	s2 =	sadd.s32 s2, s16  }
0x8e: {  	[smem:$0x3FC2] =	sst s2  }
0x8f: {  	_ = 	snop  }
0x90: {  	(tm) =	ssettm $0x1  }
0x91: {  	s17 =	sld [smem:$0x3FFB];
	_ =	sdelay $0x3  }
0x92: {  	_ =	strace s17  }
0x93: {  	s2 =	sld [smem:$0x3FFC];
	_ =	sdelay $0x3  }
0x94: {  	_ =	strace s2  }
0x95: {  	s2 =	sld [smem:$0x3FFD];
	_ =	sdelay $0x3  }
0x96: {  	_ =	strace s2  }
0x97: {  	_ =	strace $0x8FFFFFFF  }
0x98: {  	s18 =	sld [smem:$0x3FDB];
	_ =	sdelay $0x1  }
0x99: {  	s19 =	simm.s32 $_scs_section_size  }
0x9a: {  	s4 =	simm.s32 $_size__tile_overlayer_lowered;
	s5 =	simm.s32 $_tile_overlayer_lowered  }
0x9b: {  	s22 =	simm.s32 $0x1BFF;
	s21 =	sshll.u32 s5, $0x1;
	s2 =	sadd.s32 s19, s18  }
0x9c: {  	s6 =	simm.s32 $0x0;
	s20 =	sshll.u32 s4, $0x1;
	s4 =	sadd.s32 s21, s2  }
0x9d: {  	[timem:s6], [sflag:s22] =	dma.local [hbm:s4], s20  }
0x9e: {  	_ =	swait.ge [sflag:s22], s20  }
0x9f: {  	s3 =	ssub.s32 $0x0, s20;
	[sflag:s22] =	ssyncset.done $0x0  }
0xa0: {  	[sflag:s22] =	ssyncadd.s32 s3;
	_ =	sdelay $0x1  }
0xa1: {  	s23 =	simm.s32 $0x1B8B  }
0xa2: {  	_ =	swait.ge [sflag:s23], $0x1  }
0xa3: {  	[sflag:s23] =	ssyncset.done $0x0  }
0xa4: {  	s25 =	simm.s32 $0x1B8E;
	s24 =	sld [smem:$0x3FFE];
	[sflag:s23] =	ssyncadd.s32 $0xFFFFFFFF  }
0xa5: {  	s26 =	simm.s32 $execute0_lowered;
	[smem:$0x3FD2] =	sst s25  }
0xa6: {  	s4 =	sshll.u32 s26, $0x1;
	_ =	strace $0x8000004C;
	[dreg:$0x1] =	wrdreg $0xFFFFFFFF  }
0xa7: {  	s28 =	simm.s32 $_size_execute0_lowered;
	s2 =	sadd.s32 s2, s4;
	[dreg:$0x0] =	wrdreg $0x0  }
0xa8: {  	s4 =	sshll.u32 s28, $0x1;
	[dreg:$0x2] =	wrdreg s2  }
0xa9: {  	[dreg:$0x3] =	wrdreg s4  }
0xaa: {  	[dreg:$0x4] =	wrdreg $0xC0  }
0xab: {  	_ =	task [dreg:s6], $0x5FFFF  }
0xac: {  	[dreg:$0x1] =	wrdreg $0xFFFFFFFF  }
0xad: {  	[dreg:$0x0] =	wrdreg $0x60  }
0xae: {  	[dreg:$0x2] =	wrdreg s24  }
0xaf: {  	[dreg:$0x3] =	wrdreg $0xA8000  }
0xb0: {  	[dreg:$0x4] =	wrdreg $0x9  }
0xb1: {  	_ =	task.clear_ibuf [dreg:s6], $0x5FFFF;
	_ =	strace $0x9000004C  }
0xb2: {  	s29 =	simm.s32 $0x9;
	_ =	strace $0x8000004E  }
0xb3: {  	_ =	swait.ge [sflag:s29], $0x1  }
0xb4: {  	[sflag:s29] =	ssyncadd.s32 $0xFFFFFFFF  }
0xb5: {  	_ =	strace $0x9000004E  }
0xb6: {  	_ =	sfence  }
0xb7: {  	s30 =	sld [smem:$0x0];
	_ =	sdelay $0x2  }
0xb8: {  	s31 =	sshll.u32 s1, $0xD;
	s1 =	sshrl.u32 s1, $0x2  }
0xb9: {  	s3 =	sand.u32 $0x4000, s31;
	s1 =	sadd.s32 s1, s30  }
0xba: {  	s0 =	sor.u32 s3, s0;
	s1 =	sshll.u32 s1, $0x11  }
0xbb: {  	s0 =	sor.u32 s1, s0  }
0xbc: {  	s0 =	sadd.s32 $0x8F2B, s0  }
0xbd: {  	[sflag:s0] =	ssyncadd.remote.s32 $0x1  }
0xbe: {  	_ =	sfence.sel $0xFFFF  }
0xbf: {  	[dreg:$0x0] =	wrdreg $0xFFFFFFFF;
	(pc) =	sbr.abs _section_cstart, $3  }
0xc0: {  	[dreg:$0x1] =	wrdreg $0xFFFFFFFF  }
0xc1: {  	_ =	task.clear_ibuf [dreg:s6], $0x2FFFF;
	_ =	strace $0x9FFFFFFF  }
0xc2: {  	(tm) =	ssettm $0x7FFFFFFF  }
0xc3: {  	_ =	shalt  }
tec
execute0_lowered:
.L_overlay_start_1:
0x0: {  	(tag) =	ssettag $0x1  }
0x1: {  	s5 =	rddreg [dreg:$0x0]  }
0x2: {  	s1 =	rddreg [dreg:$0x1];
	s2 =	srdreg.scid  }
0x3: {  	s0 =	rddreg [dreg:$0x2];
	s3 =	simm.s32 $0x0;
	s14 =	simm.s32 $0x5  }
0x4: {  	s15 =	simm.s32 $0x1400;
	s16 =	simm.s32 $0x80;
	s17 =	simm.s32 $0x2800  }
0x5: {  	s18 =	simm.s32 $0x6800;
	s19 =	simm.s32 $0x1;
	s20 =	simm.s32 $0x2  }
0x6: {  	s21 =	simm.s32 $0x3;
	s22 =	simm.s32 $0x4;
	s23 =	simm.s32 $0x2700  }
0x7: {  	s24 =	simm.s32 $0x1380;
	s26 =	simm.s32 $0x2780;
	s6 =	sand.u32 $0x1, s2  }
0x8: {  	s28 =	simm.s32 $0x0;
	s2 =	stileid.u32;
	s7 =	smul.u32 $0x140000, s6  }
0x9: {  	[smem:$0x7FF] =	sst s3;
	s4 =	sshll.u32 s6, $0x4;
	s9 =	smul.u32 $0x14000, s2  }
0xa: {  	_ =	strace $0x8000004D;
	s6 =	ssub.s32 $0x2, s6;
	s30 =	smul.u32 $0x50000, s2  }
0xb: {  	s25 =	sshll.u32 s2, $0x6;
	s8 =	sor.u32 s2, s4;
	s4 =	sadd.s32 $0xC000, s5  }
0xc: {  	s10 =	sshrl.u32 s6, $0x1;
	s25 =	sor.u32 $0x1C05, s25;
	s8 =	smul.u32 $0x280, s8  }
0xd: {  	s7 =	sadd.s32 s9, s7;
	s13 =	ssub.s32 s6, s10;
	s31 =	sshrl.u32 s30, $0x2  }
0xe: {  	s7 =	sshrl.u32 s7, $0x3;
	s13 =	smax.u32 s13, $0x1;
	s8 =	sadd.s32 s8, s5  }
0xf: {  	s12 =	sadd.s32 s7, s5;
	s7 =	sadd.s32 s31, s1;
	s5 =	sadd.s32 $0x7000, s8  }
0x10: {  	s6 =	sadd.s32 $0x2000, s8;
	s8 =	sadd.s32 $0x4000, s7;
	s9 =	sadd.s32 $0x8000, s7  }
0x11: {  	v0 =	vimm.f32 $0.0e+00;
	s10 =	sadd.s32 $0xC000, s7;
	s11 =	sadd.s32 $0x10000, s7;
	s12 =	sadd.s32 $0x34000, s12  }
.LBB2_1:
0x12: {  	[tilespmem:s3], [sflag:$0x5] =	stream.linear.gather [hbm4b:s5+s3], $0x1400, $0x38;
	[tilespmem:$0x1E800] =	vst v63  }
0x13: {  	_ =	swait.ge [sflag:s14], $0x1400  }
0x14: {  	[sflag:s14] =	ssyncset.done $0x0  }
0x15: {  	[sflag:s14] =	ssyncadd.s32 $0xFFFFEC00  }
0x16: {  	[tilespmem:s15], [sflag:$0x5] =	stream.linear.gather [hbm4b:s6+s3], $0x1400, $0x38;
	[tilespmem:$0x1E800] =	vst v63  }
0x17: {  	_ =	swait.ge [sflag:s14], $0x1400  }
0x18: {  	[sflag:s14] =	ssyncset.done $0x0  }
0x19: {  	s29 =	simm.s32 $0x0;
	s30 =	simm.s32 $0x200;
	[sflag:s14] =	ssyncadd.s32 $0xFFFFEC00  }
0x1a: {  	[tilespmem:s17], [sflag:$0x1] =	stream.indirect.gather [hbm4b:s4+s16], $0x80, s3, s16, $0xb8;
	[tilespmem:$0x1E800] =	vst v63  }
.LBB2_2:
0x1b: {  	p0 =	sne.s32 s30, $0xFE00;
	[tilespmem:s29+$0x6870] =	vst v0  }
0x1c: {  	[tilespmem:s29+$0x6800] =	vst v0  }
0x1d: {  	[tilespmem:s29+$0x6810] =	vst v0  }
.Ltmp0:
0x1e: {  	[tilespmem:s29+$0x6820] =	vst v0;
	(pc) =	sbr.rel @p0 .LBB2_2-.Ltmp0, $4  }
0x1f: {  	[tilespmem:s29+$0x6830] =	vst v0  }
0x20: {  	[tilespmem:s29+$0x6840] =	vst v0  }
0x21: {  	[tilespmem:s29+$0x6850] =	vst v0  }
0x22: {  	[tilespmem:s29+$0x6860] =	vst v0;
	s29 =	sshra.s32 s30, $0x2;
	s30 =	sadd.s32 $0x200, s30  }
0x23: {  	[tilespmem:s29+$0x6870] =	vst v0  }
0x24: {  	[tilespmem:s29+$0x6800] =	vst v0  }
0x25: {  	[tilespmem:s29+$0x6810] =	vst v0  }
0x26: {  	[tilespmem:s29+$0x6820] =	vst v0  }
0x27: {  	[tilespmem:s29+$0x6830] =	vst v0  }
0x28: {  	[tilespmem:s29+$0x6840] =	vst v0  }
0x29: {  	[tilespmem:s29+$0x6850] =	vst v0  }
0x2a: {  	[tilespmem:s29+$0x6860] =	vst v0  }
0x2b: {  	[spmem:s7] =	stream.linear.scatter [tilespmem:s18], [sflag:$0x5], $0x4000, $0x38;
	[tilespmem:$0x1E800] =	vst v63  }
0x2c: {  	_ =	swait.ge [sflag:s14], $0x4000  }
0x2d: {  	[sflag:s14] =	ssyncset.done $0x0  }
0x2e: {  	[sflag:s14] =	ssyncadd.s32 $0xFFFFC000  }
0x2f: {  	[spmem:s8] =	stream.linear.scatter [tilespmem:s18], [sflag:$0x5], $0x4000, $0x38;
	[tilespmem:$0x1E800] =	vst v63  }
0x30: {  	_ =	swait.ge [sflag:s14], $0x4000  }
0x31: {  	[sflag:s14] =	ssyncset.done $0x0  }
0x32: {  	[sflag:s14] =	ssyncadd.s32 $0xFFFFC000  }
0x33: {  	[spmem:s9] =	stream.linear.scatter [tilespmem:s18], [sflag:$0x5], $0x4000, $0x38;
	[tilespmem:$0x1E800] =	vst v63  }
0x34: {  	_ =	swait.ge [sflag:s14], $0x4000  }
0x35: {  	[sflag:s14] =	ssyncset.done $0x0  }
0x36: {  	[sflag:s14] =	ssyncadd.s32 $0xFFFFC000  }
0x37: {  	[spmem:s10] =	stream.linear.scatter [tilespmem:s18], [sflag:$0x5], $0x4000, $0x38;
	[tilespmem:$0x1E800] =	vst v63  }
0x38: {  	_ =	swait.ge [sflag:s14], $0x4000  }
0x39: {  	[sflag:s14] =	ssyncset.done $0x0  }
0x3a: {  	[sflag:s14] =	ssyncadd.s32 $0xFFFFC000  }
0x3b: {  	[spmem:s11] =	stream.linear.scatter [tilespmem:s18], [sflag:$0x5], $0x4000, $0x38;
	[tilespmem:$0x1E800] =	vst v63  }
0x3c: {  	_ =	swait.ge [sflag:s14], $0x4000  }
0x3d: {  	[sflag:s14] =	ssyncset.done $0x0  }
0x3e: {  	[sflag:s14] =	ssyncadd.s32 $0xFFFFC000  }
0x3f: {  	[bflag:$0x0] =	sbarrier.arrive $0xFFFF  }
0x40: {  	_ =	swait.ge [sflag:s19], $0x4000  }
0x41: {  	[sflag:s19] =	ssyncset.done $0x0  }
0x42: {  	s29 =	simm.s32 $0x1400;
	[sflag:s19] =	ssyncadd.s32 $0xFFFFC000  }
0x43: {  	[spmem:s1] =	stream.indirect.scatter.add.f32 [tilespmem:s17], [sflag:$0x3], $0x80, s29, s16, $0xb8;
	[tilespmem:$0x1E800] =	vst v63  }
0x44: {  	s29 =	simm.s32 $0x80  }
0x45: {  	[tilespmem:s18], [sflag:$0x2] =	stream.indirect.gather [hbm4b:s4+s16], $0x80, s29, s16, $0xb8;
	[tilespmem:$0x1E800] =	vst v63  }
0x46: {  	_ =	swait.ge [sflag:s20], $0x4000  }
0x47: {  	[sflag:s20] =	ssyncset.done $0x0  }
0x48: {  	s29 =	simm.s32 $0x1480;
	[sflag:s20] =	ssyncadd.s32 $0xFFFFC000  }
0x49: {  	[spmem:s1] =	stream.indirect.scatter.add.f32 [tilespmem:s18], [sflag:$0x4], $0x80, s29, s16, $0xb8;
	[tilespmem:$0x1E800] =	vst v63  }
0x4a: {  	_ =	swait.ge [sflag:s21], $0x4000  }
0x4b: {  	[sflag:s21] =	ssyncset.done $0x0  }
0x4c: {  	s29 =	simm.s32 $0x100;
	[sflag:s21] =	ssyncadd.s32 $0xFFFFC000  }
0x4d: {  	[tilespmem:s17], [sflag:$0x1] =	stream.indirect.gather [hbm4b:s4+s16], $0x80, s29, s16, $0xb8;
	[tilespmem:$0x1E800] =	vst v63  }
0x4e: {  	_ =	swait.ge [sflag:s22], $0x4000  }
0x4f: {  	s29 =	simm.s32 $0x400;
	[sflag:s22] =	ssyncset.done $0x0  }
.LBB2_4:
0x50: {  	p0 =	sne.s32 s29, $0x4800  }
0x51: {  	[sflag:s22] =	ssyncadd.s32 $0xFFFFC000;
	s30 =	smov.u32 s29;
	s29 =	sadd.s32 $0x400, s29  }
0x52: {  	_ =	swait.ge [sflag:s19], $0x4000  }
0x53: {  	s30 =	sshra.s32 s30, $0x2;
	[sflag:s19] =	ssyncset.done $0x0  }
0x54: {  	s31 =	sadd.s32 $0x1400, s30;
	[sflag:s19] =	ssyncadd.s32 $0xFFFFC000  }
0x55: {  	[spmem:s1] =	stream.indirect.scatter.add.f32 [tilespmem:s17], [sflag:$0x3], $0x80, s31, s16, $0xb8;
	[tilespmem:$0x1E800] =	vst v63  }
0x56: {  	s31 =	sadd.s32 $0x80, s30  }
0x57: {  	[tilespmem:s18], [sflag:$0x2] =	stream.indirect.gather [hbm4b:s4+s16], $0x80, s31, s16, $0xb8;
	[tilespmem:$0x1E800] =	vst v63  }
0x58: {  	_ =	swait.ge [sflag:s20], $0x4000  }
0x59: {  	[sflag:s20] =	ssyncset.done $0x0  }
0x5a: {  	s31 =	sadd.s32 $0x1480, s30;
	[sflag:s20] =	ssyncadd.s32 $0xFFFFC000  }
0x5b: {  	[spmem:s1] =	stream.indirect.scatter.add.f32 [tilespmem:s18], [sflag:$0x4], $0x80, s31, s16, $0xb8;
	[tilespmem:$0x1E800] =	vst v63  }
0x5c: {  	_ =	swait.ge [sflag:s21], $0x4000  }
.Ltmp1:
0x5d: {  	[sflag:s21] =	ssyncset.done $0x0;
	(pc) =	sbr.rel @p0 .LBB2_4-.Ltmp1, $4  }
0x5e: {  	s30 =	sadd.s32 $0x100, s30;
	[sflag:s21] =	ssyncadd.s32 $0xFFFFC000  }
0x5f: {  	[tilespmem:s17], [sflag:$0x1] =	stream.indirect.gather [hbm4b:s4+s16], $0x80, s30, s16, $0xb8;
	[tilespmem:$0x1E800] =	vst v63  }
0x60: {  	_ =	swait.ge [sflag:s22], $0x4000  }
0x61: {  	[sflag:s22] =	ssyncset.done $0x0  }
0x62: {  	[sflag:s22] =	ssyncadd.s32 $0xFFFFC000  }
0x63: {  	_ =	swait.ge [sflag:s19], $0x4000  }
0x64: {  	[sflag:s19] =	ssyncset.done $0x0  }
0x65: {  	[sflag:s19] =	ssyncadd.s32 $0xFFFFC000  }
0x66: {  	[spmem:s1] =	stream.indirect.scatter.add.f32 [tilespmem:s17], [sflag:$0x3], $0x80, s23, s16, $0xb8;
	[tilespmem:$0x1E800] =	vst v63  }
0x67: {  	_ = 	snop  }
0x68: {  	[tilespmem:s18], [sflag:$0x2] =	stream.indirect.gather [hbm4b:s4+s16], $0x80, s24, s16, $0xb8;
	[tilespmem:$0x1E800] =	vst v63  }
0x69: {  	_ =	swait.ge [sflag:s20], $0x4000  }
0x6a: {  	[sflag:s20] =	ssyncset.done $0x0  }
0x6b: {  	[sflag:s20] =	ssyncadd.s32 $0xFFFFC000  }
0x6c: {  	[spmem:s1] =	stream.indirect.scatter.add.f32 [tilespmem:s18], [sflag:$0x4], $0x80, s26, s16, $0xb8;
	[tilespmem:$0x1E800] =	vst v63  }
0x6d: {  	_ =	swait.ge [sflag:s21], $0x4000  }
0x6e: {  	[sflag:s21] =	ssyncset.done $0x0  }
0x6f: {  	[sflag:s21] =	ssyncadd.s32 $0xFFFFC000  }
0x70: {  	_ =	swait.ge [sflag:s22], $0x4000  }
0x71: {  	s28 =	sadd.s32 $0x1, s28;
	[sflag:s22] =	ssyncset.done $0x0  }
0x72: {  	p0 =	sne.s32 s28, s13;
	[sflag:s22] =	ssyncadd.s32 $0xFFFFC000  }
.Ltmp2:
0x73: {  	s29 =	sshrl.u32 s7, $0x3;
	[bflag:$0x0] =	sbarrier.arrive $0xFFFF;
	(pc) =	sbr.rel @p0 .LBB2_1-.Ltmp2, $4  }
0x74: {  	[hbm:s12], [sflag:s25] =	dma.local [spmem:s29], $0x2800  }
0x75: {  	_ =	swait.ge [sflag:s14], $0x2800  }
0x76: {  	[sflag:s14] =	ssyncset.done $0x0  }
0x77: {  	[sflag:s14] =	ssyncadd.s32 $0xFFFFD800  }
0x78: {  	_ =	sfence.sel $0x180000  }
0x79: {  	[bflag:$0x0] =	sbarrier.arrive $0xFFFF  }
0x7a: {  	p0 =	sne.s32 s2, $0x0;
	_ =	strace $0x9000004D  }
0x7b: {  	s0 =	sadd.s32 @!p0 $0x100000, s0;
	[bflag:$0x2] =	sbarrier.arrive $0xFFFF  }
0x7c: {  	[sflag:s0] =	ssyncadd.tile.s32 @!p0 $0x1;
	_ =	shalt  }
.Lfunc_end2:
_tile_overlayer_lowered:
.L_overlay_start_2:
0x7d: {  	(tag) =	ssettag $0x2  }
0x7e: {  	s0 =	rddreg [dreg:$0x0];
	s2 =	stileid.u32  }
0x7f: {  	s1 =	rddreg [dreg:$0x1];
	p0 =	sne.s32 s2, $0x0  }
0x80: {  	s3 =	rddreg [dreg:$0x2];
	[bflag:$0x3] =	sbarrier.arrive $0xFFFF;
	s2 =	simm.s32 @!p0 $0x1C05  }
0x81: {  	[timem:s3], [sflag:s2] =	dma.local @!p0 [hbm:s0], s1  }
0x82: {  	s0 =	simm.s32 @!p0 $0x5  }
0x83: {  	_ =	swait.ge @!p0 [sflag:s0], s1  }
0x84: {  	s1 =	ssub.s32 @!p0 $0x0, s1;
	[sflag:s0] =	ssyncset.done @!p0 $0x0  }
0x85: {  	[sflag:s0] =	ssyncadd.s32 @!p0 s1  }
0x86: {  	[bflag:$0x3] =	sbarrier.arrive $0xFFFF  }
0x87: {  	_ =	shalt  }

// kernel: kernel.8.cloned.1.call-start
scs
__scs_entry_jumppad:
0x0: {  	(pc) =	sbr.rel $0x88, $3  }
0x1: {  	(tag) =	ssettag $0x0;
	lr =	simm.s32 $0x1  }
0x2: {  	[smem:$0x3F9B] =	sst lr;
	_ =	strace $0xD0000000  }
0x3: {  	_ = 	snop  }
0x4: {  	_ = 	snop  }
0x5: {  	_ = 	snop  }
0x6: {  	_ = 	snop  }
0x7: {  	_ = 	snop  }
__scs_overlays_trampoline_lowered:
0x8: {  	[smem:$0x3FAA] =	sst s0  }
0x9: {  	[smem:$0x3FAB] =	sst s1  }
0xa: {  	[smem:$0x3FAC] =	sst s2  }
0xb: {  	[smem:$0x3FAD] =	sst s3  }
0xc: {  	[smem:$0x3FAE] =	sst s4  }
0xd: {  	[smem:$0x3FAF] =	sst s5  }
0xe: {  	[smem:$0x3FB0] =	sst s6  }
0xf: {  	[smem:$0x3FB1] =	sst s7  }
0x10: {  	[smem:$0x3FB2] =	sst s8  }
0x11: {  	[smem:$0x3FB3] =	sst s9;
	s0 =	simm.s32 @!p0 $0x0  }
0x12: {  	s1 =	sld [smem:$0x3F99];
	s0 =	simm.s32 @p0 $0x1  }
0x13: {  	[smem:$0x3FB4] =	sst s0;
	s0 =	simm.s32 @!p1 $0x0  }
0x14: {  	s2 =	sld [smem:$0x3F98];
	s0 =	simm.s32 @p1 $0x1  }
0x15: {  	[smem:$0x3FB5] =	sst s0;
	s0 =	simm.s32 @!p2 $0x0  }
0x16: {  	s3 =	sld [smem:$0x3FDB];
	s0 =	simm.s32 @p2 $0x1  }
0x17: {  	s4 =	simm.s32 $0x1BF5;
	[smem:$0x3FB7] =	sst s0  }
0x18: {  	s0 =	sld [smem:$0x3F9A];
	_ =	swait.ge [sflag:s4], $0x0  }
0x19: {  	s7 =	sld [smem:$0x3F9B]  }
0x1a: {  	s8 =	sadd.s32 $0xFFFFE003, lr  }
0x1b: {  	s9 =	sadd.s32 $0xFFFFFEF7, lr;
	s5 =	simm.s32 $0xFFFFFFFF;
	p2 =	slt.u32 s8, $0xFFFFF086  }
0x1c: {  	p1 =	slt.u32 s9, $0xF7A;
	s5 =	simm.s32 @!p2 $0x0  }
0x1d: {  	s5 =	simm.s32 @p1 $0x1;
	p0 =	seq.s32 s7, s2  }
0x1e: {  	s7 =	smul.u32 @!p0 $0xF7A, s2;
	p2 =	seq.s32 @!p0 s5, $0x0  }
0x1f: {  	s9 =	smul.u32 $0xF7A, s1;
	s8 =	simm.s32 @!p0 $0x1BF5;
	p2 =	por !p2, p0  }
0x20: {  	[sflag:s8] =	ssyncset.s32 @!p0 $0xFFFFF086;
	s6 =	sadd.s32 @!p0 s3, s7;
	s7 =	simm.s32 @!p0 $0x108  }
0x21: {  	s3 =	sadd.s32 s3, s9;
	s6 =	sadd.s32 @!p0 $0x88, s6;
	s7 =	simm.s32 @p2 $0x1082  }
0x22: {  	[simem:s7], [sflag:s8] =	dma.local @!p0 [hbm:s6], $0xF7A  }
0x23: {  	s9 =	sor.u32 $0xD0000000, s2;
	s6 =	simm.s32 $0x108;
	_ =	swait.ge @!p0 [sflag:s8], $0x0  }
0x24: {  	s3 =	sadd.s32 $0x88, s3;
	s6 =	simm.s32 @!p1 $0x1082;
	[sflag:s4] =	ssyncset.s32 $0xFFFFF086  }
0x25: {  	[simem:s6], [sflag:s4] =	dma.local [hbm:s3], $0xF7A  }
0x26: {  	[smem:$0x3F9B] =	sst s1;
	(tag) =	ssettag s2;
	_ =	strace s9  }
0x27: {  	s1 =	sld [smem:$0x3FAB]  }
0x28: {  	s2 =	sld [smem:$0x3FAC]  }
0x29: {  	s4 =	sld [smem:$0x3FAE]  }
0x2a: {  	p0 =	seq.s32 s5, $0x0;
	s5 =	sld [smem:$0x3FAF]  }
0x2b: {  	s6 =	sld [smem:$0x3FB0]  }
0x2c: {  	s7 =	sld [smem:$0x3FB1]  }
0x2d: {  	s3 =	simm.s32 $0x108;
	s8 =	sld [smem:$0x3FB2]  }
0x2e: {  	s3 =	simm.s32 @!p0 $0x1082;
	s9 =	sld [smem:$0x3FB3]  }
0x2f: {  	lr =	sadd.s32 s0, s3;
	s0 =	sld [smem:$0x3FAA]  }
0x30: {  	s3 =	sld [smem:$0x3FAD]  }
0x31: {  	[smem:$0x3FB6] =	sst s10  }
0x32: {  	s10 =	sld [smem:$0x3FB4];
	_ =	sdelay $0x3  }
0x33: {  	p0 =	seq.s32 s10, $0x1;
	s10 =	sld [smem:$0x3FB6];
	_ =	sdelay $0x3  }
0x34: {  	[smem:$0x3FB6] =	sst s10  }
0x35: {  	s10 =	sld [smem:$0x3FB5];
	_ =	sdelay $0x3  }
0x36: {  	p1 =	seq.s32 s10, $0x1;
	s10 =	sld [smem:$0x3FB6];
	_ =	sdelay $0x3  }
0x37: {  	[smem:$0x3FB6] =	sst s10  }
0x38: {  	s10 =	sld [smem:$0x3FB7]  }
0x39: {  	_ = 	snop;
	(pc) =	sbr.ind lr, $3  }
0x3a: {  	_ = 	snop  }
0x3b: {  	_ = 	snop  }
0x3c: {  	p2 =	seq.s32 s10, $0x1;
	s10 =	sld [smem:$0x3FB6]  }
0x3d: {  	_ =	shalt  }
0x3e: {  	_ =	shalt  }
0x3f: {  	_ =	shalt  }
0x40: {  	_ =	shalt  }
0x41: {  	_ =	shalt  }
0x42: {  	_ =	shalt  }
0x43: {  	_ =	shalt  }
0x44: {  	_ =	shalt  }
0x45: {  	_ =	shalt  }
0x46: {  	_ =	shalt  }
0x47: {  	_ =	shalt  }
0x48: {  	_ =	shalt  }
0x49: {  	_ =	shalt  }
0x4a: {  	_ =	shalt  }
0x4b: {  	_ =	shalt  }
0x4c: {  	_ =	shalt  }
0x4d: {  	_ =	shalt  }
0x4e: {  	_ =	shalt  }
0x4f: {  	_ =	shalt  }
0x50: {  	_ =	shalt  }
0x51: {  	_ =	shalt  }
0x52: {  	_ =	shalt  }
0x53: {  	_ =	shalt  }
0x54: {  	_ =	shalt  }
0x55: {  	_ =	shalt  }
0x56: {  	_ =	shalt  }
0x57: {  	_ =	shalt  }
0x58: {  	_ =	shalt  }
0x59: {  	_ =	shalt  }
0x5a: {  	_ =	shalt  }
0x5b: {  	_ =	shalt  }
0x5c: {  	_ =	shalt  }
0x5d: {  	_ =	shalt  }
0x5e: {  	_ =	shalt  }
0x5f: {  	_ =	shalt  }
0x60: {  	_ =	shalt  }
0x61: {  	_ =	shalt  }
0x62: {  	_ =	shalt  }
0x63: {  	_ =	shalt  }
0x64: {  	_ =	shalt  }
0x65: {  	_ =	shalt  }
0x66: {  	_ =	shalt  }
0x67: {  	_ =	shalt  }
0x68: {  	_ =	shalt  }
0x69: {  	_ =	shalt  }
0x6a: {  	_ =	shalt  }
0x6b: {  	_ =	shalt  }
0x6c: {  	_ =	shalt  }
0x6d: {  	_ =	shalt  }
0x6e: {  	_ =	shalt  }
0x6f: {  	_ =	shalt  }
0x70: {  	_ =	shalt  }
0x71: {  	_ =	shalt  }
0x72: {  	_ =	shalt  }
0x73: {  	_ =	shalt  }
0x74: {  	_ =	shalt  }
0x75: {  	_ =	shalt  }
0x76: {  	_ =	shalt  }
0x77: {  	_ =	shalt  }
0x78: {  	_ =	shalt  }
0x79: {  	_ =	shalt  }
0x7a: {  	_ =	shalt  }
0x7b: {  	_ =	shalt  }
0x7c: {  	_ =	shalt  }
0x7d: {  	_ =	shalt  }
0x7e: {  	_ =	shalt  }
0x7f: {  	_ =	shalt  }
0x80: {  	_ =	shalt  }
0x81: {  	_ =	shalt  }
0x82: {  	_ =	shalt  }
0x83: {  	_ =	shalt  }
0x84: {  	_ =	shalt  }
0x85: {  	_ =	shalt  }
0x86: {  	_ =	shalt  }
0x87: {  	_ =	shalt  }
.Lfunc_end0:
.L_simem_size_0:
called_computation_lowered:
.L_overlay_start_0:
0x88: {  	s2 =	sld [smem:$0x3FD9]  }
0x89: {  	s3 =	sld [smem:$0x3FFE];
	_ =	sdelay $0x1  }
0x8a: {  	s1 =	srdreg.scid  }
0x8b: {  	s0 =	sand.u32 $0x1, s1  }
0x8c: {  	s17 =	sshll.u32 s0, $0xA;
	s2 =	sadd.s32 s3, s2  }
0x8d: {  	s2 =	sadd.s32 s2, s17  }
0x8e: {  	[smem:$0x3FC2] =	sst s2  }
0x8f: {  	_ = 	snop  }
0x90: {  	s2 =	sld [smem:$0x3FD0];
	(tm) =	ssettm $0x1  }
0x91: {  	s18 =	sld [smem:$0x3FFB];
	_ =	sdelay $0x3  }
0x92: {  	_ =	strace s18  }
0x93: {  	s3 =	sld [smem:$0x3FFC];
	_ =	sdelay $0x3  }
0x94: {  	_ =	strace s3  }
0x95: {  	s3 =	sld [smem:$0x3FFD];
	_ =	sdelay $0x3  }
0x96: {  	_ =	strace s3  }
0x97: {  	_ =	strace $0x8FFFFFFF  }
0x98: {  	s19 =	sld [smem:$0x3FDB];
	_ =	sdelay $0x1  }
0x99: {  	s4 =	simm.s32 $_scs_section_size  }
0x9a: {  	s5 =	simm.s32 $_size__tile_overlayer_lowered;
	s6 =	simm.s32 $_tile_overlayer_lowered  }
0x9b: {  	s22 =	simm.s32 $0x1BFF;
	s21 =	sshll.u32 s6, $0x1;
	s3 =	sadd.s32 s4, s19  }
0x9c: {  	s7 =	simm.s32 $0x0;
	s20 =	sshll.u32 s5, $0x1;
	s5 =	sadd.s32 s21, s3  }
0x9d: {  	[timem:s7], [sflag:s22] =	dma.local [hbm:s5], s20  }
0x9e: {  	_ =	swait.ge [sflag:s22], s20  }
0x9f: {  	s4 =	ssub.s32 $0x0, s20;
	[sflag:s22] =	ssyncset.done $0x0  }
0xa0: {  	[sflag:s22] =	ssyncadd.s32 s4;
	_ =	sdelay $0x1  }
0xa1: {  	s23 =	simm.s32 $0x1B8B  }
0xa2: {  	_ =	swait.ge [sflag:s23], $0x1  }
0xa3: {  	[sflag:s23] =	ssyncset.done $0x0  }
0xa4: {  	s25 =	simm.s32 $0x1B8E;
	s24 =	sld [smem:$0x3FFE];
	[sflag:s23] =	ssyncadd.s32 $0xFFFFFFFF  }
0xa5: {  	s26 =	simm.s32 $execute0_lowered;
	[smem:$0x3FD2] =	sst s25  }
0xa6: {  	s5 =	sshll.u32 s26, $0x1;
	_ =	strace $0x80000046;
	[dreg:$0x1] =	wrdreg $0xFFFFFFFF  }
0xa7: {  	s28 =	simm.s32 $_size_execute0_lowered;
	s3 =	sadd.s32 s3, s5;
	[dreg:$0x0] =	wrdreg $0x0  }
0xa8: {  	s5 =	sshll.u32 s28, $0x1;
	[dreg:$0x2] =	wrdreg s3  }
0xa9: {  	[dreg:$0x3] =	wrdreg s5  }
0xaa: {  	[dreg:$0x4] =	wrdreg $0xC0  }
0xab: {  	_ =	task [dreg:s7], $0x5FFFF  }
0xac: {  	[dreg:$0x1] =	wrdreg $0xFFFFFFFF  }
0xad: {  	[dreg:$0x0] =	wrdreg $0x60  }
0xae: {  	[dreg:$0x2] =	wrdreg s24  }
0xaf: {  	[dreg:$0x3] =	wrdreg s2  }
0xb0: {  	[dreg:$0x4] =	wrdreg $0x9  }
0xb1: {  	_ =	task.clear_ibuf [dreg:s7], $0x5FFFF;
	_ =	strace $0x90000046  }
0xb2: {  	s29 =	simm.s32 $0x9;
	_ =	strace $0x80000048  }
0xb3: {  	_ =	swait.ge [sflag:s29], $0x1  }
0xb4: {  	[sflag:s29] =	ssyncadd.s32 $0xFFFFFFFF  }
0xb5: {  	_ =	strace $0x90000048  }
0xb6: {  	_ =	sfence  }
0xb7: {  	s30 =	sld [smem:$0x0];
	_ =	sdelay $0x2  }
0xb8: {  	s31 =	sshll.u32 s1, $0xD;
	s1 =	sshrl.u32 s1, $0x2  }
0xb9: {  	s3 =	sand.u32 $0x4000, s31;
	s1 =	sadd.s32 s1, s30  }
0xba: {  	s0 =	sor.u32 s3, s0;
	s1 =	sshll.u32 s1, $0x11  }
0xbb: {  	s0 =	sor.u32 s1, s0  }
0xbc: {  	s0 =	sadd.s32 $0x8F2B, s0  }
0xbd: {  	[sflag:s0] =	ssyncadd.remote.s32 $0x1  }
0xbe: {  	_ =	sfence.sel $0xFFFF  }
0xbf: {  	[dreg:$0x0] =	wrdreg $0xFFFFFFFF;
	(pc) =	sbr.abs _section_cstart, $3  }
0xc0: {  	[dreg:$0x1] =	wrdreg $0xFFFFFFFF  }
0xc1: {  	_ =	task.clear_ibuf [dreg:s7], $0x2FFFF;
	_ =	strace $0x9FFFFFFF  }
0xc2: {  	(tm) =	ssettm $0x7FFFFFFF  }
0xc3: {  	_ =	shalt  }
tec
execute0_lowered:
.L_overlay_start_1:
0x0: {  	(tag) =	ssettag $0x1  }
0x1: {  	s3 =	rddreg [dreg:$0x0]  }
0x2: {  	s0 =	srdreg.scid;
	s5 =	rddreg [dreg:$0x1]  }
0x3: {  	s1 =	stileid.u32;
	s2 =	simm.s32 $0x0;
	s10 =	simm.s32 $0x2800  }
0x4: {  	s11 =	simm.s32 $0x5000;
	s12 =	simm.s32 $0x80;
	s4 =	sand.u32 $0x1, s0  }
0x5: {  	s13 =	simm.s32 $0x1000;
	s0 =	rddreg [dreg:$0x2];
	s6 =	sshll.u32 s4, $0x4  }
0x6: {  	[smem:$0x7FF] =	sst s2;
	s8 =	sshll.u32 s1, $0x4;
	s6 =	sor.u32 s1, s6  }
0x7: {  	s8 =	sand.u32 $0x70, s8;
	s7 =	sshll.u32 s6, $0x4;
	s6 =	smul.u32 $0x280, s6  }
0x8: {  	_ =	strace $0x80000047;
	s4 =	ssub.s32 $0x2, s4;
	s7 =	sand.u32 $0x180, s7  }
0x9: {  	s31 =	sshrl.u32 s4, $0x1;
	s7 =	sor.u32 s8, s7;
	s6 =	sadd.s32 s6, s3  }
0xa: {  	s9 =	ssub.s32 s4, s31;
	s8 =	sadd.s32 s7, s3;
	s3 =	sadd.s32 $0x7000, s6  }
0xb: {  	s4 =	sadd.s32 $0x2000, s6;
	s5 =	sadd.s32 s5, s7;
	s7 =	smax.u32 s9, $0x1  }
0xc: {  	v0 =	vimm.f32 $0.0e+00;
	v1 =	vimm.f32 $1.000000000e+00;
	s9 =	simm.s32 $0x1400;
	s6 =	sadd.s32 $0xC000, s8;
	s8 =	simm.s32 $0x1  }
.LBB2_1:
0xd: {  	s14 =	simm.s32 $0x0;
	s15 =	simm.s32 $0x200  }
.LBB2_2:
0xe: {  	p0 =	sne.s32 s15, $0x9E00;
	[tilespmem:s14+$0x5070] =	vst v0  }
0xf: {  	[tilespmem:s14+$0x2800] =	vst v0  }
0x10: {  	[tilespmem:s14+$0x5000] =	vst v0  }
0x11: {  	[tilespmem:s14+$0x2810] =	vst v0  }
0x12: {  	[tilespmem:s14+$0x5010] =	vst v0  }
0x13: {  	[tilespmem:s14+$0x2820] =	vst v0  }
0x14: {  	[tilespmem:s14+$0x5020] =	vst v0  }
0x15: {  	[tilespmem:s14+$0x2830] =	vst v0  }
0x16: {  	[tilespmem:s14+$0x5030] =	vst v0  }
0x17: {  	[tilespmem:s14+$0x2840] =	vst v0  }
0x18: {  	[tilespmem:s14+$0x5040] =	vst v0  }
.Ltmp0:
0x19: {  	[tilespmem:s14+$0x2850] =	vst v0;
	(pc) =	sbr.rel @p0 .LBB2_2-.Ltmp0, $4  }
0x1a: {  	[tilespmem:s14+$0x5050] =	vst v0  }
0x1b: {  	[tilespmem:s14+$0x2860] =	vst v0  }
0x1c: {  	[tilespmem:s14+$0x5060] =	vst v0  }
0x1d: {  	[tilespmem:s14+$0x2870] =	vst v0;
	s14 =	sshra.s32 s15, $0x2;
	s15 =	sadd.s32 $0x200, s15  }
0x1e: {  	[tilespmem:s14+$0x5070] =	vst v0  }
0x1f: {  	[tilespmem:s14+$0x2800] =	vst v0  }
0x20: {  	[tilespmem:s14+$0x5000] =	vst v0  }
0x21: {  	[tilespmem:s14+$0x2810] =	vst v0  }
0x22: {  	[tilespmem:s14+$0x5010] =	vst v0  }
0x23: {  	[tilespmem:s14+$0x2820] =	vst v0  }
0x24: {  	[tilespmem:s14+$0x5020] =	vst v0  }
0x25: {  	[tilespmem:s14+$0x2830] =	vst v0  }
0x26: {  	[tilespmem:s14+$0x5030] =	vst v0  }
0x27: {  	[tilespmem:s14+$0x2840] =	vst v0  }
0x28: {  	[tilespmem:s14+$0x5040] =	vst v0  }
0x29: {  	[tilespmem:s14+$0x2850] =	vst v0  }
0x2a: {  	[tilespmem:s14+$0x5050] =	vst v0  }
0x2b: {  	[tilespmem:s14+$0x2860] =	vst v0  }
0x2c: {  	[tilespmem:s14+$0x5060] =	vst v0  }
0x2d: {  	[tilespmem:s14+$0x2870] =	vst v0;
	s14 =	simm.s32 $0x0  }
0x2e: {  	[tilespmem:s14], [sflag:$0x1] =	stream.linear.gather [hbm4b:s3+s14], $0x1400, $0x38;
	[tilespmem:$0x7800] =	vst v63  }
0x2f: {  	_ =	swait.ge [sflag:s8], $0x1400  }
0x30: {  	[sflag:s8] =	ssyncset.done $0x0  }
0x31: {  	[sflag:s8] =	ssyncadd.s32 $0xFFFFEC00  }
0x32: {  	[tilespmem:s9], [sflag:$0x1] =	stream.linear.gather [hbm4b:s4+s14], $0x1400, $0x38;
	[tilespmem:$0x7800] =	vst v63  }
0x33: {  	_ =	swait.ge [sflag:s8], $0x1400  }
0x34: {  	[sflag:s8] =	ssyncset.done $0x0  }
0x35: {  	[sflag:s8] =	ssyncadd.s32 $0xFFFFEC00  }
.LBB2_4:
0x36: {  	s15 =	sshra.s32 s14, $0x2  }
0x37: {  	v2 =	vld [tilespmem:s15+$0x0];
	_ =	sdelay $0x7  }
0x38: {  	[tilespmem:v2+s10+$0x0] =	vst.idx.add.f32.msk $0xffff, v1  }
0x39: {  	v2 =	vld [tilespmem:s15+$0x1400];
	_ =	sdelay $0x7  }
0x3a: {  	[tilespmem:v2+s11+$0x0] =	vst.idx.add.f32.msk $0xffff, v1  }
0x3b: {  	v2 =	vld [tilespmem:s15+$0x10];
	_ =	sdelay $0x7  }
0x3c: {  	[tilespmem:v2+s10+$0x0] =	vst.idx.add.f32.msk $0xffff, v1  }
0x3d: {  	v2 =	vld [tilespmem:s15+$0x1410];
	_ =	sdelay $0x7  }
0x3e: {  	[tilespmem:v2+s11+$0x0] =	vst.idx.add.f32.msk $0xffff, v1  }
0x3f: {  	v2 =	vld [tilespmem:s15+$0x20];
	_ =	sdelay $0x7  }
0x40: {  	[tilespmem:v2+s10+$0x0] =	vst.idx.add.f32.msk $0xffff, v1  }
0x41: {  	v2 =	vld [tilespmem:s15+$0x1420];
	_ =	sdelay $0x7  }
0x42: {  	[tilespmem:v2+s11+$0x0] =	vst.idx.add.f32.msk $0xffff, v1  }
0x43: {  	v2 =	vld [tilespmem:s15+$0x30];
	_ =	sdelay $0x7  }
0x44: {  	[tilespmem:v2+s10+$0x0] =	vst.idx.add.f32.msk $0xffff, v1  }
0x45: {  	v2 =	vld [tilespmem:s15+$0x1430];
	_ =	sdelay $0x7  }
0x46: {  	[tilespmem:v2+s11+$0x0] =	vst.idx.add.f32.msk $0xffff, v1  }
0x47: {  	v2 =	vld [tilespmem:s15+$0x40];
	_ =	sdelay $0x7  }
0x48: {  	[tilespmem:v2+s10+$0x0] =	vst.idx.add.f32.msk $0xffff, v1  }
0x49: {  	v2 =	vld [tilespmem:s15+$0x1440];
	_ =	sdelay $0x7  }
0x4a: {  	[tilespmem:v2+s11+$0x0] =	vst.idx.add.f32.msk $0xffff, v1  }
0x4b: {  	v2 =	vld [tilespmem:s15+$0x50];
	_ =	sdelay $0x7  }
0x4c: {  	[tilespmem:v2+s10+$0x0] =	vst.idx.add.f32.msk $0xffff, v1  }
0x4d: {  	v2 =	vld [tilespmem:s15+$0x1450];
	_ =	sdelay $0x7  }
0x4e: {  	[tilespmem:v2+s11+$0x0] =	vst.idx.add.f32.msk $0xffff, v1  }
0x4f: {  	v2 =	vld [tilespmem:s15+$0x60];
	_ =	sdelay $0x7  }
0x50: {  	[tilespmem:v2+s10+$0x0] =	vst.idx.add.f32.msk $0xffff, v1  }
0x51: {  	v2 =	vld [tilespmem:s15+$0x1460];
	_ =	sdelay $0x7  }
0x52: {  	[tilespmem:v2+s11+$0x0] =	vst.idx.add.f32.msk $0xffff, v1  }
0x53: {  	v2 =	vld [tilespmem:s15+$0x70];
	_ =	sdelay $0x7  }
0x54: {  	[tilespmem:v2+s10+$0x0] =	vst.idx.add.f32.msk $0xffff, v1  }
0x55: {  	v2 =	vld [tilespmem:s15+$0x1470];
	_ =	sdelay $0x2  }
0x56: {  	p0 =	sne.s32 s14, $0x4E00  }
.Ltmp1:
0x57: {  	_ = 	snop;
	(pc) =	sbr.rel @p0 .LBB2_4-.Ltmp1, $2  }
0x58: {  	_ =	sdelay $0x2  }
0x59: {  	s14 =	sadd.s32 $0x200, s14;
	[tilespmem:v2+s11+$0x0] =	vst.idx.add.f32.msk $0xffff, v1  }
0x5a: {  	[hbm4b:s5+s12] =	stream.strided.scatter [tilespmem:s10], [sflag:$0x1], $0x2800, s13, s12, $0x38;
	[tilespmem:$0x7800] =	vst v63  }
0x5b: {  	s2 =	sadd.s32 $0x1, s2;
	_ =	swait.ge [sflag:s8], $0x2800  }
0x5c: {  	p0 =	sne.s32 s2, s7;
	[sflag:s8] =	ssyncset.done $0x0  }
.Ltmp2:
0x5d: {  	[sflag:s8] =	ssyncadd.s32 $0xFFFFD800;
	(pc) =	sbr.rel @p0 .LBB2_1-.Ltmp2, $4  }
0x5e: {  	[hbm4b:s6+s12] =	stream.strided.scatter [tilespmem:s11], [sflag:$0x1], $0x2800, s13, s12, $0x38;
	[tilespmem:$0x7800] =	vst v63  }
0x5f: {  	_ =	swait.ge [sflag:s8], $0x2800  }
0x60: {  	[sflag:s8] =	ssyncset.done $0x0  }
0x61: {  	[sflag:s8] =	ssyncadd.s32 $0xFFFFD800  }
0x62: {  	_ =	sfence.sel $0x180000  }
0x63: {  	[bflag:$0x0] =	sbarrier.arrive $0xFFFF  }
0x64: {  	p0 =	sne.s32 s1, $0x0;
	_ =	strace $0x90000047  }
0x65: {  	s0 =	sadd.s32 @!p0 $0x100000, s0;
	[bflag:$0x2] =	sbarrier.arrive $0xFFFF  }
0x66: {  	[sflag:s0] =	ssyncadd.tile.s32 @!p0 $0x1;
	_ =	shalt  }
.Lfunc_end2:
_tile_overlayer_lowered:
.L_overlay_start_2:
0x67: {  	(tag) =	ssettag $0x2  }
0x68: {  	s0 =	rddreg [dreg:$0x0];
	s2 =	stileid.u32  }
0x69: {  	s1 =	rddreg [dreg:$0x1];
	p0 =	sne.s32 s2, $0x0  }
0x6a: {  	s3 =	rddreg [dreg:$0x2];
	[bflag:$0x3] =	sbarrier.arrive $0xFFFF;
	s2 =	simm.s32 @!p0 $0x1C01  }
0x6b: {  	[timem:s3], [sflag:s2] =	dma.local @!p0 [hbm:s0], s1  }
0x6c: {  	s0 =	simm.s32 @!p0 $0x1  }
0x6d: {  	_ =	swait.ge @!p0 [sflag:s0], s1  }
0x6e: {  	s1 =	ssub.s32 @!p0 $0x0, s1;
	[sflag:s0] =	ssyncset.done @!p0 $0x0  }
0x6f: {  	[sflag:s0] =	ssyncadd.s32 @!p0 s1  }
0x70: {  	[bflag:$0x3] =	sbarrier.arrive $0xFFFF  }
0x71: {  	_ =	shalt  }

</sc_bundles>
